<compile_context>
chip_gen: v7x
topology: tpu7x:2x2x1
jax: 0.10.2.dev20260603
libtpu: 0.0.44.dev20260713+nightly
codegen_flags: <defaults>
</compile_context>

<pallas_src>
import functools

import jax
import jax.numpy as jnp
import numpy as np
from jax import lax
from jax.experimental import pallas as pl
from jax.experimental.pallas import tpu as pltpu
from jax.experimental.pallas import tpu_sc as plsc

_METADATA = [128, 64, 32, 16]


def _perm_table():
    offset = 0
    parts = []
    for l, n in enumerate(_METADATA):
        m = np.arange(offset, offset + n * (2 * l + 1), dtype=np.int32)
        if l == 1:
            m = m.reshape(-1, 2 * l + 1)[:, [1, 2, 0]].reshape(-1)
        parts.append(m)
        offset += n * (2 * l + 1)
    return np.concatenate(parts)


_PERM = _perm_table()
_MID_LO = 128
_MID_N = 192
_MID_IDX = _PERM[_MID_LO:_MID_LO + _MID_N]
_SRC_T = (_MID_IDX // 128).astype(np.int32)
_SRC_K = (_MID_IDX % 128).astype(np.int32)

_ROWS = 50000
_COLS = 592
_R = 40
_NB = _ROWS // _R
_NW = 32
_LANES = 16
_MID_GROUPS = _MID_N // _LANES
_NBUF = 3


def _sc_body(feat_hbm, tvec_hbm, kvec_hbm, out_hbm, bufm, buf4, tv_v, kv_v,
             semin, semout):
    wid = lax.axis_index("c") * 16 + lax.axis_index("s")
    pltpu.sync_copy(tvec_hbm, tv_v)
    pltpu.sync_copy(kvec_hbm, kv_v)
    nb = (_NB - wid + _NW - 1) // _NW

    def in_cps(j):
        row0 = (wid + j * _NW) * _R
        slot = j % _NBUF
        cps = [
            pltpu.make_async_copy(
                feat_hbm.at[pl.ds(row0, _R), pl.ds(128 * t, 128)],
                bufm.at[slot, t], semin.at[slot])
            for t in range(4)
        ]
        cps.append(pltpu.make_async_copy(
            feat_hbm.at[pl.ds(row0, _R), pl.ds(512, 80)],
            buf4.at[slot], semin.at[slot]))
        return cps

    def out_cps(j):
        row0 = (wid + j * _NW) * _R
        slot = j % _NBUF
        cps = [
            pltpu.make_async_copy(
                bufm.at[slot, t],
                out_hbm.at[pl.ds(row0, _R), pl.ds(128 * t, 128)],
                semout.at[slot])
            for t in range(4)
        ]
        cps.append(pltpu.make_async_copy(
            buf4.at[slot],
            out_hbm.at[pl.ds(row0, _R), pl.ds(512, 80)],
            semout.at[slot]))
        return cps

    def start(cps):
        for cp in cps:
            cp.start()

    def drain(cps):
        for cp in cps:
            cp.wait()

    @pl.when(0 < nb)
    def _():
        start(in_cps(0))

    @pl.when(1 < nb)
    def _():
        start(in_cps(1))

    def body(i, _):
        slot = i % _NBUF
        drain(in_cps(i))
        sv = jnp.full((_LANES,), slot, jnp.int32)

        def row_body(r, _):
            rv = jnp.full((_LANES,), r, jnp.int32)
            vals = []
            for j in range(_MID_GROUPS):
                tv = tv_v[pl.ds(j * _LANES, _LANES)]
                kv = kv_v[pl.ds(j * _LANES, _LANES)]
                vals.append(plsc.load_gather(bufm, [sv, tv, rv, kv]))
            for j in range(_MID_GROUPS):
                t_d = 1 + (j // 8)
                k_d = (j * _LANES) % 128
                bufm[slot, t_d, r, pl.ds(k_d, _LANES)] = vals[j]
            return 0

        lax.fori_loop(0, _R, row_body, 0)

        @pl.when(i >= 1)
        def _():
            drain(out_cps(i - 1))

        @pl.when(i + 2 < nb)
        def _():
            start(in_cps(i + 2))

        start(out_cps(i))
        return 0

    lax.fori_loop(0, nb, body, 0)

    @pl.when(nb >= 1)
    def _():
        drain(out_cps(nb - 1))


@jax.jit
def kernel(feat_ten):
    mesh = plsc.VectorSubcoreMesh(core_axis_name="c", subcore_axis_name="s")
    tvec = jnp.asarray(_SRC_T)
    kvec = jnp.asarray(_SRC_K)
    k = functools.partial(
        pl.kernel,
        mesh=mesh,
        out_type=jax.ShapeDtypeStruct((_ROWS, _COLS), jnp.float32),
        scratch_types=[
            pltpu.VMEM((_NBUF, 4, _R, 128), jnp.float32),
            pltpu.VMEM((_NBUF, _R, 80), jnp.float32),
            pltpu.VMEM((_MID_N,), jnp.int32),
            pltpu.VMEM((_MID_N,), jnp.int32),
            pltpu.SemaphoreType.DMA((_NBUF,)),
            pltpu.SemaphoreType.DMA((_NBUF,)),
        ],
        compiler_params=pltpu.CompilerParams(needs_layout_passes=False),
    )(_sc_body)
    return k(feat_ten, tvec, kvec)

# --- scband reference (transcript-rebuilt; emitter-appended) ---
"""Pipeline reference for scband-one-body-to-spherical-7043746365487 (READ-ONLY COPY).

The authoritative reference and input builder live on the scoring server;
editing this copy changes nothing except your own understanding.
"""

import jax, jax.numpy as jnp
import numpy as np

METADATA = [128, 64, 32, 16]
REP_DIM = 1


def _build_out_ids(metadata):
    # Mirrors OneBodyToSpherical.__init__: per-l contiguous index blocks,
    # with the l==1 blocks permuted per-triplet (Cartesian xyz -> spherical yzx).
    offset = 0
    parts = []
    for l, n in enumerate(metadata):
        m = np.arange(offset, offset + n * (2 * l + 1), dtype=np.int64)
        if l == 1:
            m = m.reshape(-1, 2 * l + 1)[:, [1, 2, 0]].reshape(-1)
        parts.append(m)
        offset += n * (2 * l + 1)
    return np.concatenate(parts)


OUT_IDS = jnp.asarray(_build_out_ids(METADATA))  # length 592 permutation index


def setup_inputs(seed: int = 0) -> dict:
    key = jax.random.key(seed)
    feat_dim = sum(n * (2 * l + 1) for l, n in enumerate(METADATA))  # 592
    feat_ten = jax.random.normal(key, (50000, feat_dim), dtype=jnp.float32)
    return {"feat_ten": feat_ten}


def reference(feat_ten):
    # torch.index_select(feat_ten, dim=rep_dim, index=out_ids)
    # The SphericalTensor wrapper just carries metadata; the numerical payload
    # is the gathered tensor, which we return.
    return jnp.take(feat_ten, OUT_IDS, axis=REP_DIM)

if __name__ == "__main__":
    import jax
    _d = setup_inputs()
    print(jax.jit(kernel)(*tuple(_d.values())))

</pallas_src>

<mosaic_0001>
#map = affine_map<(d0, d1) -> (0, 0)>
#map1 = affine_map<(d0, d1) -> (0)>
module attributes {stable_mosaic.version = 14 : i64} {
  func.func @_sc_body(%arg0: i32, %arg1: i32, %arg2: memref<50000x592xf32, #tpu.memory_space<hbm>>, %arg3: memref<192xi32, #tpu.memory_space<hbm>>, %arg4: memref<192xi32, #tpu.memory_space<hbm>>, %arg5: memref<50000x592xf32, #tpu.memory_space<hbm>>, %arg6: memref<3x4x40x128xf32, #tpu.memory_space<vmem>>, %arg7: memref<3x40x80xf32, #tpu.memory_space<vmem>>, %arg8: memref<192xi32, #tpu.memory_space<vmem>>, %arg9: memref<192xi32, #tpu.memory_space<vmem>>, %arg10: memref<3x!tpu.dma_semaphore, #tpu.memory_space<semaphore_mem>>, %arg11: memref<3x!tpu.dma_semaphore, #tpu.memory_space<semaphore_mem>>) attributes {dimension_semantics = [#tpu.dimension_semantics<core_parallel>, #tpu.dimension_semantics<subcore_parallel>], iteration_bounds = array<i64: 2, 16>, scalar_prefetch = 0 : i64, scratch_operands = 6 : i64, tpu.core_type = #tpu.core_type<sc_vector_subcore>, window_params = [{transform_indices = #map}, {transform_indices = #map1}, {transform_indices = #map1}, {transform_indices = #map}]} {
    %mul3A = arith.constant 16 : i32
    %mul3A_0 = arith.muli %arg0, %mul3A : i32
    %add3A = arith.addi %mul3A_0, %arg1 : i32
    "tpu.region"() ({
      %run_scoped3A = tpu.sem_alloc : memref<!tpu.dma_semaphore, #tpu.memory_space<semaphore_mem>>
      tpu.enqueue_dma source(%arg3 : memref<192xi32, #tpu.memory_space<hbm>>) target(%arg8 : memref<192xi32, #tpu.memory_space<vmem>>) target_semaphore(%run_scoped3A : memref<!tpu.dma_semaphore, #tpu.memory_space<semaphore_mem>>)
      tpu.wait_dma2 semaphore(%run_scoped3A : memref<!tpu.dma_semaphore, #tpu.memory_space<semaphore_mem>>) src(%arg3 : memref<192xi32, #tpu.memory_space<hbm>>) dst(%arg8 : memref<192xi32, #tpu.memory_space<vmem>>)
      tpu.yield
    }) : () -> ()
    "tpu.region"() ({
      %run_scoped3A = tpu.sem_alloc : memref<!tpu.dma_semaphore, #tpu.memory_space<semaphore_mem>>
      tpu.enqueue_dma source(%arg4 : memref<192xi32, #tpu.memory_space<hbm>>) target(%arg9 : memref<192xi32, #tpu.memory_space<vmem>>) target_semaphore(%run_scoped3A : memref<!tpu.dma_semaphore, #tpu.memory_space<semaphore_mem>>)
      tpu.wait_dma2 semaphore(%run_scoped3A : memref<!tpu.dma_semaphore, #tpu.memory_space<semaphore_mem>>) src(%arg4 : memref<192xi32, #tpu.memory_space<hbm>>) dst(%arg9 : memref<192xi32, #tpu.memory_space<vmem>>)
      tpu.yield
    }) : () -> ()
    %sub3A = arith.constant 1250 : i32
    %sub3A_1 = arith.subi %sub3A, %add3A : i32
    %add3A_2 = arith.constant 32 : i32
    %add3A_3 = arith.addi %sub3A_1, %add3A_2 : i32
    %sub3A_4 = arith.constant 1 : i32
    %sub3A_5 = arith.subi %add3A_3, %sub3A_4 : i32
    %jit3A = arith.constant 32 : i32
    %div3A = arith.divsi %sub3A_5, %jit3A : i32
    %sign3A = arith.constant 0 : i32
    %sign3A_6 = arith.cmpi sgt, %sub3A_5, %sign3A : i32
    %sign3A_7 = arith.extui %sign3A_6 : i1 to i32
    %sign3A_8 = arith.constant 0 : i32
    %sign3A_9 = arith.cmpi slt, %sub3A_5, %sign3A_8 : i32
    %sign3A_10 = arith.extui %sign3A_9 : i1 to i32
    %sign3A_11 = arith.subi %sign3A_7, %sign3A_10 : i32
    %sign3A_12 = arith.constant 0 : i32
    %sign3A_13 = arith.cmpi sgt, %jit3A, %sign3A_12 : i32
    %sign3A_14 = arith.extui %sign3A_13 : i1 to i32
    %sign3A_15 = arith.constant 0 : i32
    %sign3A_16 = arith.cmpi slt, %jit3A, %sign3A_15 : i32
    %sign3A_17 = arith.extui %sign3A_16 : i1 to i32
    %sign3A_18 = arith.subi %sign3A_14, %sign3A_17 : i32
    %ne3A = arith.cmpi ne, %sign3A_11, %sign3A_18 : i32
    %rem3A = arith.remsi %sub3A_5, %jit3A : i32
    %ne3A_19 = arith.constant 0 : i32
    %ne3A_20 = arith.cmpi ne, %rem3A, %ne3A_19 : i32
    %and3A = arith.andi %ne3A, %ne3A_20 : i1
    %sub3A_21 = arith.constant 1 : i32
    %sub3A_22 = arith.subi %div3A, %sub3A_21 : i32
    %select_n3A = arith.select %and3A, %sub3A_22, %div3A : i32
    %gt3A = arith.constant 0 : i32
    %gt3A_23 = arith.cmpi sgt, %select_n3A, %gt3A : i32
    %convert_element_type3A = arith.extui %gt3A_23 : i1 to i32
    %cond3A = arith.constant 0 : i32
    %cond3A_24 = arith.cmpi ne, %convert_element_type3A, %cond3A : i32
    scf.if %cond3A_24 {
      %add3A_45 = arith.constant 0 : i32
      %add3A_46 = arith.addi %add3A, %add3A_45 : i32
      %mul3A_47 = arith.constant 40 : i32
      %mul3A_48 = arith.muli %add3A_46, %mul3A_47 : i32
      %dma_start3A = arith.constant 0 : i32
      %dma_start3A_49 = arith.constant 0 : i32
      %dma_start3A_50 = arith.constant 0 : i32
      %dma_start3A_51 = arith.constant 0 : i32
      %dma_start3A_52 = arith.constant 0 : i32
      %dma_start3A_53 = tpu.memref_slice %arg6[%dma_start3A, %dma_start3A_49, %dma_start3A_51, %dma_start3A_52] : memref<3x4x40x128xf32, #tpu.memory_space<vmem>> -> memref<1x1x40x128xf32, #tpu.memory_space<vmem>>
      %dma_start3A_54 = tpu.memref_squeeze %dma_start3A_53 : memref<1x1x40x128xf32, #tpu.memory_space<vmem>> -> memref<40x128xf32, #tpu.memory_space<vmem>>
      %dma_start3A_55 = arith.constant 0 : i32
      %dma_start3A_56 = tpu.memref_slice %arg2[%mul3A_48, %dma_start3A_55] : memref<50000x592xf32, #tpu.memory_space<hbm>> -> memref<40x128xf32, #tpu.memory_space<hbm>>
      %dma_start3A_57 = tpu.memref_slice %arg10[%dma_start3A_50] : memref<3x!tpu.dma_semaphore, #tpu.memory_space<semaphore_mem>> -> memref<1x!tpu.dma_semaphore, #tpu.memory_space<semaphore_mem>>
      %dma_start3A_58 = tpu.memref_squeeze %dma_start3A_57 : memref<1x!tpu.dma_semaphore, #tpu.memory_space<semaphore_mem>> -> memref<!tpu.dma_semaphore, #tpu.memory_space<semaphore_mem>>
      %dma_start3A_59 = arith.constant 0 : i32
      %dma_start3A_60 = arith.constant 0 : i32
      %dma_start3A_61 = tpu.memref_slice %arg6[%dma_start3A, %dma_start3A_49, %dma_start3A_59, %dma_start3A_60] : memref<3x4x40x128xf32, #tpu.memory_space<vmem>> -> memref<1x1x40x128xf32, #tpu.memory_space<vmem>>
      %dma_start3A_62 = tpu.memref_squeeze %dma_start3A_61 : memref<1x1x40x128xf32, #tpu.memory_space<vmem>> -> memref<40x128xf32, #tpu.memory_space<vmem>>
      %dma_start3A_63 = arith.constant 0 : i32
      %dma_start3A_64 = tpu.memref_slice %arg2[%mul3A_48, %dma_start3A_63] : memref<50000x592xf32, #tpu.memory_space<hbm>> -> memref<40x128xf32, #tpu.memory_space<hbm>>
      tpu.enqueue_dma source(%dma_start3A_64 : memref<40x128xf32, #tpu.memory_space<hbm>>) target(%dma_start3A_62 : memref<40x128xf32, #tpu.memory_space<vmem>>) target_semaphore(%dma_start3A_58 : memref<!tpu.dma_semaphore, #tpu.memory_space<semaphore_mem>>)
      %dma_start3A_65 = arith.constant 0 : i32
      %dma_start3A_66 = arith.constant 1 : i32
      %dma_start3A_67 = arith.constant 0 : i32
      %dma_start3A_68 = arith.constant 0 : i32
      %dma_start3A_69 = arith.constant 0 : i32
      %dma_start3A_70 = tpu.memref_slice %arg6[%dma_start3A_65, %dma_start3A_66, %dma_start3A_68, %dma_start3A_69] : memref<3x4x40x128xf32, #tpu.memory_space<vmem>> -> memref<1x1x40x128xf32, #tpu.memory_space<vmem>>
      %dma_start3A_71 = tpu.memref_squeeze %dma_start3A_70 : memref<1x1x40x128xf32, #tpu.memory_space<vmem>> -> memref<40x128xf32, #tpu.memory_space<vmem>>
      %dma_start3A_72 = arith.constant 128 : i32
      %dma_start3A_73 = tpu.memref_slice %arg2[%mul3A_48, %dma_start3A_72] : memref<50000x592xf32, #tpu.memory_space<hbm>> -> memref<40x128xf32, #tpu.memory_space<hbm>>
      %dma_start3A_74 = tpu.memref_slice %arg10[%dma_start3A_67] : memref<3x!tpu.dma_semaphore, #tpu.memory_space<semaphore_mem>> -> memref<1x!tpu.dma_semaphore, #tpu.memory_space<semaphore_mem>>
      %dma_start3A_75 = tpu.memref_squeeze %dma_start3A_74 : memref<1x!tpu.dma_semaphore, #tpu.memory_space<semaphore_mem>> -> memref<!tpu.dma_semaphore, #tpu.memory_space<semaphore_mem>>
      %dma_start3A_76 = arith.constant 0 : i32
      %dma_start3A_77 = arith.constant 0 : i32
      %dma_start3A_78 = tpu.memref_slice %arg6[%dma_start3A_65, %dma_start3A_66, %dma_start3A_76, %dma_start3A_77] : memref<3x4x40x128xf32, #tpu.memory_space<vmem>> -> memref<1x1x40x128xf32, #tpu.memory_space<vmem>>
      %dma_start3A_79 = tpu.memref_squeeze %dma_start3A_78 : memref<1x1x40x128xf32, #tpu.memory_space<vmem>> -> memref<40x128xf32, #tpu.memory_space<vmem>>
      %dma_start3A_80 = arith.constant 128 : i32
      %dma_start3A_81 = tpu.memref_slice %arg2[%mul3A_48, %dma_start3A_80] : memref<50000x592xf32, #tpu.memory_space<hbm>> -> memref<40x128xf32, #tpu.memory_space<hbm>>
      tpu.enqueue_dma source(%dma_start3A_81 : memref<40x128xf32, #tpu.memory_space<hbm>>) target(%dma_start3A_79 : memref<40x128xf32, #tpu.memory_space<vmem>>) target_semaphore(%dma_start3A_75 : memref<!tpu.dma_semaphore, #tpu.memory_space<semaphore_mem>>)
      %dma_start3A_82 = arith.constant 0 : i32
      %dma_start3A_83 = arith.constant 2 : i32
      %dma_start3A_84 = arith.constant 0 : i32
      %dma_start3A_85 = arith.constant 0 : i32
      %dma_start3A_86 = arith.constant 0 : i32
      %dma_start3A_87 = tpu.memref_slice %arg6[%dma_start3A_82, %dma_start3A_83, %dma_start3A_85, %dma_start3A_86] : memref<3x4x40x128xf32, #tpu.memory_space<vmem>> -> memref<1x1x40x128xf32, #tpu.memory_space<vmem>>
      %dma_start3A_88 = tpu.memref_squeeze %dma_start3A_87 : memref<1x1x40x128xf32, #tpu.memory_space<vmem>> -> memref<40x128xf32, #tpu.memory_space<vmem>>
      %dma_start3A_89 = arith.constant 256 : i32
      %dma_start3A_90 = tpu.memref_slice %arg2[%mul3A_48, %dma_start3A_89] : memref<50000x592xf32, #tpu.memory_space<hbm>> -> memref<40x128xf32, #tpu.memory_space<hbm>>
      %dma_start3A_91 = tpu.memref_slice %arg10[%dma_start3A_84] : memref<3x!tpu.dma_semaphore, #tpu.memory_space<semaphore_mem>> -> memref<1x!tpu.dma_semaphore, #tpu.memory_space<semaphore_mem>>
      %dma_start3A_92 = tpu.memref_squeeze %dma_start3A_91 : memref<1x!tpu.dma_semaphore, #tpu.memory_space<semaphore_mem>> -> memref<!tpu.dma_semaphore, #tpu.memory_space<semaphore_mem>>
      %dma_start3A_93 = arith.constant 0 : i32
      %dma_start3A_94 = arith.constant 0 : i32
      %dma_start3A_95 = tpu.memref_slice %arg6[%dma_start3A_82, %dma_start3A_83, %dma_start3A_93, %dma_start3A_94] : memref<3x4x40x128xf32, #tpu.memory_space<vmem>> -> memref<1x1x40x128xf32, #tpu.memory_space<vmem>>
      %dma_start3A_96 = tpu.memref_squeeze %dma_start3A_95 : memref<1x1x40x128xf32, #tpu.memory_space<vmem>> -> memref<40x128xf32, #tpu.memory_space<vmem>>
      %dma_start3A_97 = arith.constant 256 : i32
      %dma_start3A_98 = tpu.memref_slice %arg2[%mul3A_48, %dma_start3A_97] : memref<50000x592xf32, #tpu.memory_space<hbm>> -> memref<40x128xf32, #tpu.memory_space<hbm>>
      tpu.enqueue_dma source(%dma_start3A_98 : memref<40x128xf32, #tpu.memory_space<hbm>>) target(%dma_start3A_96 : memref<40x128xf32, #tpu.memory_space<vmem>>) target_semaphore(%dma_start3A_92 : memref<!tpu.dma_semaphore, #tpu.memory_space<semaphore_mem>>)
      %dma_start3A_99 = arith.constant 0 : i32
      %dma_start3A_100 = arith.constant 3 : i32
      %dma_start3A_101 = arith.constant 0 : i32
      %dma_start3A_102 = arith.constant 0 : i32
      %dma_start3A_103 = arith.constant 0 : i32
      %dma_start3A_104 = tpu.memref_slice %arg6[%dma_start3A_99, %dma_start3A_100, %dma_start3A_102, %dma_start3A_103] : memref<3x4x40x128xf32, #tpu.memory_space<vmem>> -> memref<1x1x40x128xf32, #tpu.memory_space<vmem>>
      %dma_start3A_105 = tpu.memref_squeeze %dma_start3A_104 : memref<1x1x40x128xf32, #tpu.memory_space<vmem>> -> memref<40x128xf32, #tpu.memory_space<vmem>>
      %dma_start3A_106 = arith.constant 384 : i32
      %dma_start3A_107 = tpu.memref_slice %arg2[%mul3A_48, %dma_start3A_106] : memref<50000x592xf32, #tpu.memory_space<hbm>> -> memref<40x128xf32, #tpu.memory_space<hbm>>
      %dma_start3A_108 = tpu.memref_slice %arg10[%dma_start3A_101] : memref<3x!tpu.dma_semaphore, #tpu.memory_space<semaphore_mem>> -> memref<1x!tpu.dma_semaphore, #tpu.memory_space<semaphore_mem>>
      %dma_start3A_109 = tpu.memref_squeeze %dma_start3A_108 : memref<1x!tpu.dma_semaphore, #tpu.memory_space<semaphore_mem>> -> memref<!tpu.dma_semaphore, #tpu.memory_space<semaphore_mem>>
      %dma_start3A_110 = arith.constant 0 : i32
      %dma_start3A_111 = arith.constant 0 : i32
      %dma_start3A_112 = tpu.memref_slice %arg6[%dma_start3A_99, %dma_start3A_100, %dma_start3A_110, %dma_start3A_111] : memref<3x4x40x128xf32, #tpu.memory_space<vmem>> -> memref<1x1x40x128xf32, #tpu.memory_space<vmem>>
      %dma_start3A_113 = tpu.memref_squeeze %dma_start3A_112 : memref<1x1x40x128xf32, #tpu.memory_space<vmem>> -> memref<40x128xf32, #tpu.memory_space<vmem>>
      %dma_start3A_114 = arith.constant 384 : i32
      %dma_start3A_115 = tpu.memref_slice %arg2[%mul3A_48, %dma_start3A_114] : memref<50000x592xf32, #tpu.memory_space<hbm>> -> memref<40x128xf32, #tpu.memory_space<hbm>>
      tpu.enqueue_dma source(%dma_start3A_115 : memref<40x128xf32, #tpu.memory_space<hbm>>) target(%dma_start3A_113 : memref<40x128xf32, #tpu.memory_space<vmem>>) target_semaphore(%dma_start3A_109 : memref<!tpu.dma_semaphore, #tpu.memory_space<semaphore_mem>>)
      %dma_start3A_116 = arith.constant 0 : i32
      %dma_start3A_117 = arith.constant 0 : i32
      %dma_start3A_118 = arith.constant 0 : i32
      %dma_start3A_119 = arith.constant 0 : i32
      %dma_start3A_120 = tpu.memref_slice %arg7[%dma_start3A_116, %dma_start3A_118, %dma_start3A_119] : memref<3x40x80xf32, #tpu.memory_space<vmem>> -> memref<1x40x80xf32, #tpu.memory_space<vmem>>
      %dma_start3A_121 = tpu.memref_squeeze %dma_start3A_120 : memref<1x40x80xf32, #tpu.memory_space<vmem>> -> memref<40x80xf32, #tpu.memory_space<vmem>>
      %dma_start3A_122 = arith.constant 512 : i32
      %dma_start3A_123 = tpu.memref_slice %arg2[%mul3A_48, %dma_start3A_122] : memref<50000x592xf32, #tpu.memory_space<hbm>> -> memref<40x80xf32, #tpu.memory_space<hbm>>
      %dma_start3A_124 = tpu.memref_slice %arg10[%dma_start3A_117] : memref<3x!tpu.dma_semaphore, #tpu.memory_space<semaphore_mem>> -> memref<1x!tpu.dma_semaphore, #tpu.memory_space<semaphore_mem>>
      %dma_start3A_125 = tpu.memref_squeeze %dma_start3A_124 : memref<1x!tpu.dma_semaphore, #tpu.memory_space<semaphore_mem>> -> memref<!tpu.dma_semaphore, #tpu.memory_space<semaphore_mem>>
      %dma_start3A_126 = arith.constant 0 : i32
      %dma_start3A_127 = arith.constant 0 : i32
      %dma_start3A_128 = tpu.memref_slice %arg7[%dma_start3A_116, %dma_start3A_126, %dma_start3A_127] : memref<3x40x80xf32, #tpu.memory_space<vmem>> -> memref<1x40x80xf32, #tpu.memory_space<vmem>>
      %dma_start3A_129 = tpu.memref_squeeze %dma_start3A_128 : memref<1x40x80xf32, #tpu.memory_space<vmem>> -> memref<40x80xf32, #tpu.memory_space<vmem>>
      %dma_start3A_130 = arith.constant 512 : i32
      %dma_start3A_131 = tpu.memref_slice %arg2[%mul3A_48, %dma_start3A_130] : memref<50000x592xf32, #tpu.memory_space<hbm>> -> memref<40x80xf32, #tpu.memory_space<hbm>>
      tpu.enqueue_dma source(%dma_start3A_131 : memref<40x80xf32, #tpu.memory_space<hbm>>) target(%dma_start3A_129 : memref<40x80xf32, #tpu.memory_space<vmem>>) target_semaphore(%dma_start3A_125 : memref<!tpu.dma_semaphore, #tpu.memory_space<semaphore_mem>>)
    } else {
    }
    %gt3A_25 = arith.constant 1 : i32
    %gt3A_26 = arith.cmpi sgt, %select_n3A, %gt3A_25 : i32
    %convert_element_type3A_27 = arith.extui %gt3A_26 : i1 to i32
    %cond3A_28 = arith.constant 0 : i32
    %cond3A_29 = arith.cmpi ne, %convert_element_type3A_27, %cond3A_28 : i32
    scf.if %cond3A_29 {
      %add3A_45 = arith.constant 32 : i32
      %add3A_46 = arith.addi %add3A, %add3A_45 : i32
      %mul3A_47 = arith.constant 40 : i32
      %mul3A_48 = arith.muli %add3A_46, %mul3A_47 : i32
      %dma_start3A = arith.constant 1 : i32
      %dma_start3A_49 = arith.constant 0 : i32
      %dma_start3A_50 = arith.constant 1 : i32
      %dma_start3A_51 = arith.constant 0 : i32
      %dma_start3A_52 = arith.constant 0 : i32
      %dma_start3A_53 = tpu.memref_slice %arg6[%dma_start3A, %dma_start3A_49, %dma_start3A_51, %dma_start3A_52] : memref<3x4x40x128xf32, #tpu.memory_space<vmem>> -> memref<1x1x40x128xf32, #tpu.memory_space<vmem>>
      %dma_start3A_54 = tpu.memref_squeeze %dma_start3A_53 : memref<1x1x40x128xf32, #tpu.memory_space<vmem>> -> memref<40x128xf32, #tpu.memory_space<vmem>>
      %dma_start3A_55 = arith.constant 0 : i32
      %dma_start3A_56 = tpu.memref_slice %arg2[%mul3A_48, %dma_start3A_55] : memref<50000x592xf32, #tpu.memory_space<hbm>> -> memref<40x128xf32, #tpu.memory_space<hbm>>
      %dma_start3A_57 = tpu.memref_slice %arg10[%dma_start3A_50] : memref<3x!tpu.dma_semaphore, #tpu.memory_space<semaphore_mem>> -> memref<1x!tpu.dma_semaphore, #tpu.memory_space<semaphore_mem>>
      %dma_start3A_58 = tpu.memref_squeeze %dma_start3A_57 : memref<1x!tpu.dma_semaphore, #tpu.memory_space<semaphore_mem>> -> memref<!tpu.dma_semaphore, #tpu.memory_space<semaphore_mem>>
      %dma_start3A_59 = arith.constant 0 : i32
      %dma_start3A_60 = arith.constant 0 : i32
      %dma_start3A_61 = tpu.memref_slice %arg6[%dma_start3A, %dma_start3A_49, %dma_start3A_59, %dma_start3A_60] : memref<3x4x40x128xf32, #tpu.memory_space<vmem>> -> memref<1x1x40x128xf32, #tpu.memory_space<vmem>>
      %dma_start3A_62 = tpu.memref_squeeze %dma_start3A_61 : memref<1x1x40x128xf32, #tpu.memory_space<vmem>> -> memref<40x128xf32, #tpu.memory_space<vmem>>
      %dma_start3A_63 = arith.constant 0 : i32
      %dma_start3A_64 = tpu.memref_slice %arg2[%mul3A_48, %dma_start3A_63] : memref<50000x592xf32, #tpu.memory_space<hbm>> -> memref<40x128xf32, #tpu.memory_space<hbm>>
      tpu.enqueue_dma source(%dma_start3A_64 : memref<40x128xf32, #tpu.memory_space<hbm>>) target(%dma_start3A_62 : memref<40x128xf32, #tpu.memory_space<vmem>>) target_semaphore(%dma_start3A_58 : memref<!tpu.dma_semaphore, #tpu.memory_space<semaphore_mem>>)
      %dma_start3A_65 = arith.constant 1 : i32
      %dma_start3A_66 = arith.constant 1 : i32
      %dma_start3A_67 = arith.constant 1 : i32
      %dma_start3A_68 = arith.constant 0 : i32
      %dma_start3A_69 = arith.constant 0 : i32
      %dma_start3A_70 = tpu.memref_slice %arg6[%dma_start3A_65, %dma_start3A_66, %dma_start3A_68, %dma_start3A_69] : memref<3x4x40x128xf32, #tpu.memory_space<vmem>> -> memref<1x1x40x128xf32, #tpu.memory_space<vmem>>
      %dma_start3A_71 = tpu.memref_squeeze %dma_start3A_70 : memref<1x1x40x128xf32, #tpu.memory_space<vmem>> -> memref<40x128xf32, #tpu.memory_space<vmem>>
      %dma_start3A_72 = arith.constant 128 : i32
      %dma_start3A_73 = tpu.memref_slice %arg2[%mul3A_48, %dma_start3A_72] : memref<50000x592xf32, #tpu.memory_space<hbm>> -> memref<40x128xf32, #tpu.memory_space<hbm>>
      %dma_start3A_74 = tpu.memref_slice %arg10[%dma_start3A_67] : memref<3x!tpu.dma_semaphore, #tpu.memory_space<semaphore_mem>> -> memref<1x!tpu.dma_semaphore, #tpu.memory_space<semaphore_mem>>
      %dma_start3A_75 = tpu.memref_squeeze %dma_start3A_74 : memref<1x!tpu.dma_semaphore, #tpu.memory_space<semaphore_mem>> -> memref<!tpu.dma_semaphore, #tpu.memory_space<semaphore_mem>>
      %dma_start3A_76 = arith.constant 0 : i32
      %dma_start3A_77 = arith.constant 0 : i32
      %dma_start3A_78 = tpu.memref_slice %arg6[%dma_start3A_65, %dma_start3A_66, %dma_start3A_76, %dma_start3A_77] : memref<3x4x40x128xf32, #tpu.memory_space<vmem>> -> memref<1x1x40x128xf32, #tpu.memory_space<vmem>>
      %dma_start3A_79 = tpu.memref_squeeze %dma_start3A_78 : memref<1x1x40x128xf32, #tpu.memory_space<vmem>> -> memref<40x128xf32, #tpu.memory_space<vmem>>
      %dma_start3A_80 = arith.constant 128 : i32
      %dma_start3A_81 = tpu.memref_slice %arg2[%mul3A_48, %dma_start3A_80] : memref<50000x592xf32, #tpu.memory_space<hbm>> -> memref<40x128xf32, #tpu.memory_space<hbm>>
      tpu.enqueue_dma source(%dma_start3A_81 : memref<40x128xf32, #tpu.memory_space<hbm>>) target(%dma_start3A_79 : memref<40x128xf32, #tpu.memory_space<vmem>>) target_semaphore(%dma_start3A_75 : memref<!tpu.dma_semaphore, #tpu.memory_space<semaphore_mem>>)
      %dma_start3A_82 = arith.constant 1 : i32
      %dma_start3A_83 = arith.constant 2 : i32
      %dma_start3A_84 = arith.constant 1 : i32
      %dma_start3A_85 = arith.constant 0 : i32
      %dma_start3A_86 = arith.constant 0 : i32
      %dma_start3A_87 = tpu.memref_slice %arg6[%dma_start3A_82, %dma_start3A_83, %dma_start3A_85, %dma_start3A_86] : memref<3x4x40x128xf32, #tpu.memory_space<vmem>> -> memref<1x1x40x128xf32, #tpu.memory_space<vmem>>
      %dma_start3A_88 = tpu.memref_squeeze %dma_start3A_87 : memref<1x1x40x128xf32, #tpu.memory_space<vmem>> -> memref<40x128xf32, #tpu.memory_space<vmem>>
      %dma_start3A_89 = arith.constant 256 : i32
      %dma_start3A_90 = tpu.memref_slice %arg2[%mul3A_48, %dma_start3A_89] : memref<50000x592xf32, #tpu.memory_space<hbm>> -> memref<40x128xf32, #tpu.memory_space<hbm>>
      %dma_start3A_91 = tpu.memref_slice %arg10[%dma_start3A_84] : memref<3x!tpu.dma_semaphore, #tpu.memory_space<semaphore_mem>> -> memref<1x!tpu.dma_semaphore, #tpu.memory_space<semaphore_mem>>
      %dma_start3A_92 = tpu.memref_squeeze %dma_start3A_91 : memref<1x!tpu.dma_semaphore, #tpu.memory_space<semaphore_mem>> -> memref<!tpu.dma_semaphore, #tpu.memory_space<semaphore_mem>>
      %dma_start3A_93 = arith.constant 0 : i32
      %dma_start3A_94 = arith.constant 0 : i32
      %dma_start3A_95 = tpu.memref_slice %arg6[%dma_start3A_82, %dma_start3A_83, %dma_start3A_93, %dma_start3A_94] : memref<3x4x40x128xf32, #tpu.memory_space<vmem>> -> memref<1x1x40x128xf32, #tpu.memory_space<vmem>>
      %dma_start3A_96 = tpu.memref_squeeze %dma_start3A_95 : memref<1x1x40x128xf32, #tpu.memory_space<vmem>> -> memref<40x128xf32, #tpu.memory_space<vmem>>
      %dma_start3A_97 = arith.constant 256 : i32
      %dma_start3A_98 = tpu.memref_slice %arg2[%mul3A_48, %dma_start3A_97] : memref<50000x592xf32, #tpu.memory_space<hbm>> -> memref<40x128xf32, #tpu.memory_space<hbm>>
      tpu.enqueue_dma source(%dma_start3A_98 : memref<40x128xf32, #tpu.memory_space<hbm>>) target(%dma_start3A_96 : memref<40x128xf32, #tpu.memory_space<vmem>>) target_semaphore(%dma_start3A_92 : memref<!tpu.dma_semaphore, #tpu.memory_space<semaphore_mem>>)
      %dma_start3A_99 = arith.constant 1 : i32
      %dma_start3A_100 = arith.constant 3 : i32
      %dma_start3A_101 = arith.constant 1 : i32
      %dma_start3A_102 = arith.constant 0 : i32
      %dma_start3A_103 = arith.constant 0 : i32
      %dma_start3A_104 = tpu.memref_slice %arg6[%dma_start3A_99, %dma_start3A_100, %dma_start3A_102, %dma_start3A_103] : memref<3x4x40x128xf32, #tpu.memory_space<vmem>> -> memref<1x1x40x128xf32, #tpu.memory_space<vmem>>
      %dma_start3A_105 = tpu.memref_squeeze %dma_start3A_104 : memref<1x1x40x128xf32, #tpu.memory_space<vmem>> -> memref<40x128xf32, #tpu.memory_space<vmem>>
      %dma_start3A_106 = arith.constant 384 : i32
      %dma_start3A_107 = tpu.memref_slice %arg2[%mul3A_48, %dma_start3A_106] : memref<50000x592xf32, #tpu.memory_space<hbm>> -> memref<40x128xf32, #tpu.memory_space<hbm>>
      %dma_start3A_108 = tpu.memref_slice %arg10[%dma_start3A_101] : memref<3x!tpu.dma_semaphore, #tpu.memory_space<semaphore_mem>> -> memref<1x!tpu.dma_semaphore, #tpu.memory_space<semaphore_mem>>
      %dma_start3A_109 = tpu.memref_squeeze %dma_start3A_108 : memref<1x!tpu.dma_semaphore, #tpu.memory_space<semaphore_mem>> -> memref<!tpu.dma_semaphore, #tpu.memory_space<semaphore_mem>>
      %dma_start3A_110 = arith.constant 0 : i32
      %dma_start3A_111 = arith.constant 0 : i32
      %dma_start3A_112 = tpu.memref_slice %arg6[%dma_start3A_99, %dma_start3A_100, %dma_start3A_110, %dma_start3A_111] : memref<3x4x40x128xf32, #tpu.memory_space<vmem>> -> memref<1x1x40x128xf32, #tpu.memory_space<vmem>>
      %dma_start3A_113 = tpu.memref_squeeze %dma_start3A_112 : memref<1x1x40x128xf32, #tpu.memory_space<vmem>> -> memref<40x128xf32, #tpu.memory_space<vmem>>
      %dma_start3A_114 = arith.constant 384 : i32
      %dma_start3A_115 = tpu.memref_slice %arg2[%mul3A_48, %dma_start3A_114] : memref<50000x592xf32, #tpu.memory_space<hbm>> -> memref<40x128xf32, #tpu.memory_space<hbm>>
      tpu.enqueue_dma source(%dma_start3A_115 : memref<40x128xf32, #tpu.memory_space<hbm>>) target(%dma_start3A_113 : memref<40x128xf32, #tpu.memory_space<vmem>>) target_semaphore(%dma_start3A_109 : memref<!tpu.dma_semaphore, #tpu.memory_space<semaphore_mem>>)
      %dma_start3A_116 = arith.constant 1 : i32
      %dma_start3A_117 = arith.constant 1 : i32
      %dma_start3A_118 = arith.constant 0 : i32
      %dma_start3A_119 = arith.constant 0 : i32
      %dma_start3A_120 = tpu.memref_slice %arg7[%dma_start3A_116, %dma_start3A_118, %dma_start3A_119] : memref<3x40x80xf32, #tpu.memory_space<vmem>> -> memref<1x40x80xf32, #tpu.memory_space<vmem>>
      %dma_start3A_121 = tpu.memref_squeeze %dma_start3A_120 : memref<1x40x80xf32, #tpu.memory_space<vmem>> -> memref<40x80xf32, #tpu.memory_space<vmem>>
      %dma_start3A_122 = arith.constant 512 : i32
      %dma_start3A_123 = tpu.memref_slice %arg2[%mul3A_48, %dma_start3A_122] : memref<50000x592xf32, #tpu.memory_space<hbm>> -> memref<40x80xf32, #tpu.memory_space<hbm>>
      %dma_start3A_124 = tpu.memref_slice %arg10[%dma_start3A_117] : memref<3x!tpu.dma_semaphore, #tpu.memory_space<semaphore_mem>> -> memref<1x!tpu.dma_semaphore, #tpu.memory_space<semaphore_mem>>
      %dma_start3A_125 = tpu.memref_squeeze %dma_start3A_124 : memref<1x!tpu.dma_semaphore, #tpu.memory_space<semaphore_mem>> -> memref<!tpu.dma_semaphore, #tpu.memory_space<semaphore_mem>>
      %dma_start3A_126 = arith.constant 0 : i32
      %dma_start3A_127 = arith.constant 0 : i32
      %dma_start3A_128 = tpu.memref_slice %arg7[%dma_start3A_116, %dma_start3A_126, %dma_start3A_127] : memref<3x40x80xf32, #tpu.memory_space<vmem>> -> memref<1x40x80xf32, #tpu.memory_space<vmem>>
      %dma_start3A_129 = tpu.memref_squeeze %dma_start3A_128 : memref<1x40x80xf32, #tpu.memory_space<vmem>> -> memref<40x80xf32, #tpu.memory_space<vmem>>
      %dma_start3A_130 = arith.constant 512 : i32
      %dma_start3A_131 = tpu.memref_slice %arg2[%mul3A_48, %dma_start3A_130] : memref<50000x592xf32, #tpu.memory_space<hbm>> -> memref<40x80xf32, #tpu.memory_space<hbm>>
      tpu.enqueue_dma source(%dma_start3A_131 : memref<40x80xf32, #tpu.memory_space<hbm>>) target(%dma_start3A_129 : memref<40x80xf32, #tpu.memory_space<vmem>>) target_semaphore(%dma_start3A_125 : memref<!tpu.dma_semaphore, #tpu.memory_space<semaphore_mem>>)
    } else {
    }
    %while3A = arith.constant 0 : i32
    %while3A_30 = arith.constant 0 : i32
    %while3A_31 = arith.subi %select_n3A, %while3A : i32
    %while3A_32 = arith.addi %while3A, %while3A_31 : i32
    %while3A_33 = arith.constant 1 : i32
    %while3A_34 = arith.divsi %while3A_31, %while3A_33 : i32
    %while3A_35 = arith.muli %while3A_34, %while3A_33 : i32
    %while3A_36 = arith.addi %while3A, %while3A_35 : i32
    %while3A_37 = arith.constant 1 : i32
    %while3A_38 = scf.for %while3A_45 = %while3A to %while3A_36 step %while3A_37 iter_args(%while3A_46 = %while3A_30) -> (i32)  : i32 {
      %jit3A_47 = arith.constant 3 : i32
      %eq3A = arith.constant 0 : i32
      %eq3A_48 = arith.cmpi eq, %jit3A_47, %eq3A : i32
      %jit3A_49 = arith.constant 1 : i32
      %select_n3A_50 = arith.select %eq3A_48, %jit3A_49, %jit3A_47 : i32
      %rem3A_51 = arith.remsi %while3A_45, %select_n3A_50 : i32
      %ne3A_52 = arith.constant 0 : i32
      %ne3A_53 = arith.cmpi ne, %rem3A_51, %ne3A_52 : i32
      %lt3A = arith.constant 0 : i32
      %lt3A_54 = arith.cmpi slt, %rem3A_51, %lt3A : i32
      %lt3A_55 = arith.constant 0 : i32
      %lt3A_56 = arith.cmpi slt, %select_n3A_50, %lt3A_55 : i32
      %ne3A_57 = arith.xori %lt3A_54, %lt3A_56 : i1
      %and3A_58 = arith.andi %ne3A_57, %ne3A_53 : i1
      %add3A_59 = arith.addi %rem3A_51, %select_n3A_50 : i32
      %select_n3A_60 = arith.select %and3A_58, %add3A_59, %rem3A_51 : i32
      %mul3A_61 = arith.constant 32 : i32
      %mul3A_62 = arith.muli %while3A_45, %mul3A_61 : i32
      %add3A_63 = arith.addi %add3A, %mul3A_62 : i32
      %mul3A_64 = arith.constant 40 : i32
      %mul3A_65 = arith.muli %add3A_63, %mul3A_64 : i32
      %jit3A_66 = arith.constant 3 : i32
      %eq3A_67 = arith.constant 0 : i32
      %eq3A_68 = arith.cmpi eq, %jit3A_66, %eq3A_67 : i32
      %jit3A_69 = arith.constant 1 : i32
      %select_n3A_70 = arith.select %eq3A_68, %jit3A_69, %jit3A_66 : i32
      %rem3A_71 = arith.remsi %while3A_45, %select_n3A_70 : i32
      %ne3A_72 = arith.constant 0 : i32
      %ne3A_73 = arith.cmpi ne, %rem3A_71, %ne3A_72 : i32
      %lt3A_74 = arith.constant 0 : i32
      %lt3A_75 = arith.cmpi slt, %rem3A_71, %lt3A_74 : i32
      %lt3A_76 = arith.constant 0 : i32
      %lt3A_77 = arith.cmpi slt, %select_n3A_70, %lt3A_76 : i32
      %ne3A_78 = arith.xori %lt3A_75, %lt3A_77 : i1
      %and3A_79 = arith.andi %ne3A_78, %ne3A_73 : i1
      %add3A_80 = arith.addi %rem3A_71, %select_n3A_70 : i32
      %select_n3A_81 = arith.select %and3A_79, %add3A_80, %rem3A_71 : i32
      %dma_wait3A = arith.constant 0 : i32
      %dma_wait3A_82 = arith.constant 0 : i32
      %dma_wait3A_83 = arith.constant 0 : i32
      %dma_wait3A_84 = tpu.memref_slice %arg6[%select_n3A_81, %dma_wait3A, %dma_wait3A_82, %dma_wait3A_83] : memref<3x4x40x128xf32, #tpu.memory_space<vmem>> -> memref<1x1x40x128xf32, #tpu.memory_space<vmem>>
      %dma_wait3A_85 = tpu.memref_squeeze %dma_wait3A_84 : memref<1x1x40x128xf32, #tpu.memory_space<vmem>> -> memref<40x128xf32, #tpu.memory_space<vmem>>
      %dma_wait3A_86 = arith.constant 0 : i32
      %dma_wait3A_87 = tpu.memref_slice %arg2[%mul3A_65, %dma_wait3A_86] : memref<50000x592xf32, #tpu.memory_space<hbm>> -> memref<40x128xf32, #tpu.memory_space<hbm>>
      %dma_wait3A_88 = tpu.memref_slice %arg10[%select_n3A_81] : memref<3x!tpu.dma_semaphore, #tpu.memory_space<semaphore_mem>> -> memref<1x!tpu.dma_semaphore, #tpu.memory_space<semaphore_mem>>
      %dma_wait3A_89 = tpu.memref_squeeze %dma_wait3A_88 : memref<1x!tpu.dma_semaphore, #tpu.memory_space<semaphore_mem>> -> memref<!tpu.dma_semaphore, #tpu.memory_space<semaphore_mem>>
      %dma_wait3A_90 = arith.constant 0 : i32
      %dma_wait3A_91 = arith.constant 0 : i32
      %dma_wait3A_92 = tpu.memref_slice %arg6[%select_n3A_81, %dma_wait3A, %dma_wait3A_90, %dma_wait3A_91] : memref<3x4x40x128xf32, #tpu.memory_space<vmem>> -> memref<1x1x40x128xf32, #tpu.memory_space<vmem>>
      %dma_wait3A_93 = tpu.memref_squeeze %dma_wait3A_92 : memref<1x1x40x128xf32, #tpu.memory_space<vmem>> -> memref<40x128xf32, #tpu.memory_space<vmem>>
      %dma_wait3A_94 = arith.constant 0 : i32
      %dma_wait3A_95 = tpu.memref_slice %arg2[%mul3A_65, %dma_wait3A_94] : memref<50000x592xf32, #tpu.memory_space<hbm>> -> memref<40x128xf32, #tpu.memory_space<hbm>>
      tpu.wait_dma2 semaphore(%dma_wait3A_89 : memref<!tpu.dma_semaphore, #tpu.memory_space<semaphore_mem>>) src(%dma_wait3A_95 : memref<40x128xf32, #tpu.memory_space<hbm>>) dst(%dma_wait3A_93 : memref<40x128xf32, #tpu.memory_space<vmem>>)
      %dma_wait3A_96 = arith.constant 1 : i32
      %dma_wait3A_97 = arith.constant 0 : i32
      %dma_wait3A_98 = arith.constant 0 : i32
      %dma_wait3A_99 = tpu.memref_slice %arg6[%select_n3A_81, %dma_wait3A_96, %dma_wait3A_97, %dma_wait3A_98] : memref<3x4x40x128xf32, #tpu.memory_space<vmem>> -> memref<1x1x40x128xf32, #tpu.memory_space<vmem>>
      %dma_wait3A_100 = tpu.memref_squeeze %dma_wait3A_99 : memref<1x1x40x128xf32, #tpu.memory_space<vmem>> -> memref<40x128xf32, #tpu.memory_space<vmem>>
      %dma_wait3A_101 = arith.constant 128 : i32
      %dma_wait3A_102 = tpu.memref_slice %arg2[%mul3A_65, %dma_wait3A_101] : memref<50000x592xf32, #tpu.memory_space<hbm>> -> memref<40x128xf32, #tpu.memory_space<hbm>>
      %dma_wait3A_103 = tpu.memref_slice %arg10[%select_n3A_81] : memref<3x!tpu.dma_semaphore, #tpu.memory_space<semaphore_mem>> -> memref<1x!tpu.dma_semaphore, #tpu.memory_space<semaphore_mem>>
      %dma_wait3A_104 = tpu.memref_squeeze %dma_wait3A_103 : memref<1x!tpu.dma_semaphore, #tpu.memory_space<semaphore_mem>> -> memref<!tpu.dma_semaphore, #tpu.memory_space<semaphore_mem>>
      %dma_wait3A_105 = arith.constant 0 : i32
      %dma_wait3A_106 = arith.constant 0 : i32
      %dma_wait3A_107 = tpu.memref_slice %arg6[%select_n3A_81, %dma_wait3A_96, %dma_wait3A_105, %dma_wait3A_106] : memref<3x4x40x128xf32, #tpu.memory_space<vmem>> -> memref<1x1x40x128xf32, #tpu.memory_space<vmem>>
      %dma_wait3A_108 = tpu.memref_squeeze %dma_wait3A_107 : memref<1x1x40x128xf32, #tpu.memory_space<vmem>> -> memref<40x128xf32, #tpu.memory_space<vmem>>
      %dma_wait3A_109 = arith.constant 128 : i32
      %dma_wait3A_110 = tpu.memref_slice %arg2[%mul3A_65, %dma_wait3A_109] : memref<50000x592xf32, #tpu.memory_space<hbm>> -> memref<40x128xf32, #tpu.memory_space<hbm>>
      tpu.wait_dma2 semaphore(%dma_wait3A_104 : memref<!tpu.dma_semaphore, #tpu.memory_space<semaphore_mem>>) src(%dma_wait3A_110 : memref<40x128xf32, #tpu.memory_space<hbm>>) dst(%dma_wait3A_108 : memref<40x128xf32, #tpu.memory_space<vmem>>)
      %dma_wait3A_111 = arith.constant 2 : i32
      %dma_wait3A_112 = arith.constant 0 : i32
      %dma_wait3A_113 = arith.constant 0 : i32
      %dma_wait3A_114 = tpu.memref_slice %arg6[%select_n3A_81, %dma_wait3A_111, %dma_wait3A_112, %dma_wait3A_113] : memref<3x4x40x128xf32, #tpu.memory_space<vmem>> -> memref<1x1x40x128xf32, #tpu.memory_space<vmem>>
      %dma_wait3A_115 = tpu.memref_squeeze %dma_wait3A_114 : memref<1x1x40x128xf32, #tpu.memory_space<vmem>> -> memref<40x128xf32, #tpu.memory_space<vmem>>
      %dma_wait3A_116 = arith.constant 256 : i32
      %dma_wait3A_117 = tpu.memref_slice %arg2[%mul3A_65, %dma_wait3A_116] : memref<50000x592xf32, #tpu.memory_space<hbm>> -> memref<40x128xf32, #tpu.memory_space<hbm>>
      %dma_wait3A_118 = tpu.memref_slice %arg10[%select_n3A_81] : memref<3x!tpu.dma_semaphore, #tpu.memory_space<semaphore_mem>> -> memref<1x!tpu.dma_semaphore, #tpu.memory_space<semaphore_mem>>
      %dma_wait3A_119 = tpu.memref_squeeze %dma_wait3A_118 : memref<1x!tpu.dma_semaphore, #tpu.memory_space<semaphore_mem>> -> memref<!tpu.dma_semaphore, #tpu.memory_space<semaphore_mem>>
      %dma_wait3A_120 = arith.constant 0 : i32
      %dma_wait3A_121 = arith.constant 0 : i32
      %dma_wait3A_122 = tpu.memref_slice %arg6[%select_n3A_81, %dma_wait3A_111, %dma_wait3A_120, %dma_wait3A_121] : memref<3x4x40x128xf32, #tpu.memory_space<vmem>> -> memref<1x1x40x128xf32, #tpu.memory_space<vmem>>
      %dma_wait3A_123 = tpu.memref_squeeze %dma_wait3A_122 : memref<1x1x40x128xf32, #tpu.memory_space<vmem>> -> memref<40x128xf32, #tpu.memory_space<vmem>>
      %dma_wait3A_124 = arith.constant 256 : i32
      %dma_wait3A_125 = tpu.memref_slice %arg2[%mul3A_65, %dma_wait3A_124] : memref<50000x592xf32, #tpu.memory_space<hbm>> -> memref<40x128xf32, #tpu.memory_space<hbm>>
      tpu.wait_dma2 semaphore(%dma_wait3A_119 : memref<!tpu.dma_semaphore, #tpu.memory_space<semaphore_mem>>) src(%dma_wait3A_125 : memref<40x128xf32, #tpu.memory_space<hbm>>) dst(%dma_wait3A_123 : memref<40x128xf32, #tpu.memory_space<vmem>>)
      %dma_wait3A_126 = arith.constant 3 : i32
      %dma_wait3A_127 = arith.constant 0 : i32
      %dma_wait3A_128 = arith.constant 0 : i32
      %dma_wait3A_129 = tpu.memref_slice %arg6[%select_n3A_81, %dma_wait3A_126, %dma_wait3A_127, %dma_wait3A_128] : memref<3x4x40x128xf32, #tpu.memory_space<vmem>> -> memref<1x1x40x128xf32, #tpu.memory_space<vmem>>
      %dma_wait3A_130 = tpu.memref_squeeze %dma_wait3A_129 : memref<1x1x40x128xf32, #tpu.memory_space<vmem>> -> memref<40x128xf32, #tpu.memory_space<vmem>>
      %dma_wait3A_131 = arith.constant 384 : i32
      %dma_wait3A_132 = tpu.memref_slice %arg2[%mul3A_65, %dma_wait3A_131] : memref<50000x592xf32, #tpu.memory_space<hbm>> -> memref<40x128xf32, #tpu.memory_space<hbm>>
      %dma_wait3A_133 = tpu.memref_slice %arg10[%select_n3A_81] : memref<3x!tpu.dma_semaphore, #tpu.memory_space<semaphore_mem>> -> memref<1x!tpu.dma_semaphore, #tpu.memory_space<semaphore_mem>>
      %dma_wait3A_134 = tpu.memref_squeeze %dma_wait3A_133 : memref<1x!tpu.dma_semaphore, #tpu.memory_space<semaphore_mem>> -> memref<!tpu.dma_semaphore, #tpu.memory_space<semaphore_mem>>
      %dma_wait3A_135 = arith.constant 0 : i32
      %dma_wait3A_136 = arith.constant 0 : i32
      %dma_wait3A_137 = tpu.memref_slice %arg6[%select_n3A_81, %dma_wait3A_126, %dma_wait3A_135, %dma_wait3A_136] : memref<3x4x40x128xf32, #tpu.memory_space<vmem>> -> memref<1x1x40x128xf32, #tpu.memory_space<vmem>>
      %dma_wait3A_138 = tpu.memref_squeeze %dma_wait3A_137 : memref<1x1x40x128xf32, #tpu.memory_space<vmem>> -> memref<40x128xf32, #tpu.memory_space<vmem>>
      %dma_wait3A_139 = arith.constant 384 : i32
      %dma_wait3A_140 = tpu.memref_slice %arg2[%mul3A_65, %dma_wait3A_139] : memref<50000x592xf32, #tpu.memory_space<hbm>> -> memref<40x128xf32, #tpu.memory_space<hbm>>
      tpu.wait_dma2 semaphore(%dma_wait3A_134 : memref<!tpu.dma_semaphore, #tpu.memory_space<semaphore_mem>>) src(%dma_wait3A_140 : memref<40x128xf32, #tpu.memory_space<hbm>>) dst(%dma_wait3A_138 : memref<40x128xf32, #tpu.memory_space<vmem>>)
      %dma_wait3A_141 = arith.constant 0 : i32
      %dma_wait3A_142 = arith.constant 0 : i32
      %dma_wait3A_143 = tpu.memref_slice %arg7[%select_n3A_81, %dma_wait3A_141, %dma_wait3A_142] : memref<3x40x80xf32, #tpu.memory_space<vmem>> -> memref<1x40x80xf32, #tpu.memory_space<vmem>>
      %dma_wait3A_144 = tpu.memref_squeeze %dma_wait3A_143 : memref<1x40x80xf32, #tpu.memory_space<vmem>> -> memref<40x80xf32, #tpu.memory_space<vmem>>
      %dma_wait3A_145 = arith.constant 512 : i32
      %dma_wait3A_146 = tpu.memref_slice %arg2[%mul3A_65, %dma_wait3A_145] : memref<50000x592xf32, #tpu.memory_space<hbm>> -> memref<40x80xf32, #tpu.memory_space<hbm>>
      %dma_wait3A_147 = tpu.memref_slice %arg10[%select_n3A_81] : memref<3x!tpu.dma_semaphore, #tpu.memory_space<semaphore_mem>> -> memref<1x!tpu.dma_semaphore, #tpu.memory_space<semaphore_mem>>
      %dma_wait3A_148 = tpu.memref_squeeze %dma_wait3A_147 : memref<1x!tpu.dma_semaphore, #tpu.memory_space<semaphore_mem>> -> memref<!tpu.dma_semaphore, #tpu.memory_space<semaphore_mem>>
      %dma_wait3A_149 = arith.constant 0 : i32
      %dma_wait3A_150 = arith.constant 0 : i32
      %dma_wait3A_151 = tpu.memref_slice %arg7[%select_n3A_81, %dma_wait3A_149, %dma_wait3A_150] : memref<3x40x80xf32, #tpu.memory_space<vmem>> -> memref<1x40x80xf32, #tpu.memory_space<vmem>>
      %dma_wait3A_152 = tpu.memref_squeeze %dma_wait3A_151 : memref<1x40x80xf32, #tpu.memory_space<vmem>> -> memref<40x80xf32, #tpu.memory_space<vmem>>
      %dma_wait3A_153 = arith.constant 512 : i32
      %dma_wait3A_154 = tpu.memref_slice %arg2[%mul3A_65, %dma_wait3A_153] : memref<50000x592xf32, #tpu.memory_space<hbm>> -> memref<40x80xf32, #tpu.memory_space<hbm>>
      tpu.wait_dma2 semaphore(%dma_wait3A_148 : memref<!tpu.dma_semaphore, #tpu.memory_space<semaphore_mem>>) src(%dma_wait3A_154 : memref<40x80xf32, #tpu.memory_space<hbm>>) dst(%dma_wait3A_152 : memref<40x80xf32, #tpu.memory_space<vmem>>)
      %broadcast_in_dim3A = vector.broadcast %select_n3A_60 : i32 to vector<16xi32>
      %scan3A = arith.constant 0 : i32
      %scan3A_155 = arith.constant 0 : i32
      %scan3A_156 = arith.constant 40 : i32
      %scan3A_157 = arith.addi %scan3A_155, %scan3A_156 : i32
      %scan3A_158 = arith.constant 1 : i32
      %scan3A_159 = scf.for %scan3A_267 = %scan3A_155 to %scan3A_157 step %scan3A_158 iter_args(%scan3A_268 = %scan3A) -> (i32)  : i32 {
        %broadcast_in_dim3A_269 = vector.broadcast %scan3A_267 : i32 to vector<16xi32>
        %get3A = arith.constant 0 : index
        %get3A_270 = tpu.vector_load %arg8[%get3A] {strides = array<i32>} : memref<192xi32, #tpu.memory_space<vmem>>, vector<16xi32>,
        %get3A_271 = arith.constant 0 : index
        %get3A_272 = tpu.vector_load %arg9[%get3A_271] {strides = array<i32>} : memref<192xi32, #tpu.memory_space<vmem>>, vector<16xi32>,
        %gather3A = tpu.vector_load_idx %arg6[%broadcast_in_dim3A, %get3A_270, %broadcast_in_dim3A_269, %get3A_272] : memref<3x4x40x128xf32, #tpu.memory_space<vmem>>[vector<16xi32>, vector<16xi32>, vector<16xi32>, vector<16xi32>], vector<16xf32>,
        %get3A_273 = arith.constant 16 : index
        %get3A_274 = tpu.vector_load %arg8[%get3A_273] {strides = array<i32>} : memref<192xi32, #tpu.memory_space<vmem>>, vector<16xi32>,
        %get3A_275 = arith.constant 16 : index
        %get3A_276 = tpu.vector_load %arg9[%get3A_275] {strides = array<i32>} : memref<192xi32, #tpu.memory_space<vmem>>, vector<16xi32>,
        %gather3A_277 = tpu.vector_load_idx %arg6[%broadcast_in_dim3A, %get3A_274, %broadcast_in_dim3A_269, %get3A_276] : memref<3x4x40x128xf32, #tpu.memory_space<vmem>>[vector<16xi32>, vector<16xi32>, vector<16xi32>, vector<16xi32>], vector<16xf32>,
        %get3A_278 = arith.constant 32 : index
        %get3A_279 = tpu.vector_load %arg8[%get3A_278] {strides = array<i32>} : memref<192xi32, #tpu.memory_space<vmem>>, vector<16xi32>,
        %get3A_280 = arith.constant 32 : index
        %get3A_281 = tpu.vector_load %arg9[%get3A_280] {strides = array<i32>} : memref<192xi32, #tpu.memory_space<vmem>>, vector<16xi32>,
        %gather3A_282 = tpu.vector_load_idx %arg6[%broadcast_in_dim3A, %get3A_279, %broadcast_in_dim3A_269, %get3A_281] : memref<3x4x40x128xf32, #tpu.memory_space<vmem>>[vector<16xi32>, vector<16xi32>, vector<16xi32>, vector<16xi32>], vector<16xf32>,
        %get3A_283 = arith.constant 48 : index
        %get3A_284 = tpu.vector_load %arg8[%get3A_283] {strides = array<i32>} : memref<192xi32, #tpu.memory_space<vmem>>, vector<16xi32>,
        %get3A_285 = arith.constant 48 : index
        %get3A_286 = tpu.vector_load %arg9[%get3A_285] {strides = array<i32>} : memref<192xi32, #tpu.memory_space<vmem>>, vector<16xi32>,
        %gather3A_287 = tpu.vector_load_idx %arg6[%broadcast_in_dim3A, %get3A_284, %broadcast_in_dim3A_269, %get3A_286] : memref<3x4x40x128xf32, #tpu.memory_space<vmem>>[vector<16xi32>, vector<16xi32>, vector<16xi32>, vector<16xi32>], vector<16xf32>,
        %get3A_288 = arith.constant 64 : index
        %get3A_289 = tpu.vector_load %arg8[%get3A_288] {strides = array<i32>} : memref<192xi32, #tpu.memory_space<vmem>>, vector<16xi32>,
        %get3A_290 = arith.constant 64 : index
        %get3A_291 = tpu.vector_load %arg9[%get3A_290] {strides = array<i32>} : memref<192xi32, #tpu.memory_space<vmem>>, vector<16xi32>,
        %gather3A_292 = tpu.vector_load_idx %arg6[%broadcast_in_dim3A, %get3A_289, %broadcast_in_dim3A_269, %get3A_291] : memref<3x4x40x128xf32, #tpu.memory_space<vmem>>[vector<16xi32>, vector<16xi32>, vector<16xi32>, vector<16xi32>], vector<16xf32>,
        %get3A_293 = arith.constant 80 : index
        %get3A_294 = tpu.vector_load %arg8[%get3A_293] {strides = array<i32>} : memref<192xi32, #tpu.memory_space<vmem>>, vector<16xi32>,
        %get3A_295 = arith.constant 80 : index
        %get3A_296 = tpu.vector_load %arg9[%get3A_295] {strides = array<i32>} : memref<192xi32, #tpu.memory_space<vmem>>, vector<16xi32>,
        %gather3A_297 = tpu.vector_load_idx %arg6[%broadcast_in_dim3A, %get3A_294, %broadcast_in_dim3A_269, %get3A_296] : memref<3x4x40x128xf32, #tpu.memory_space<vmem>>[vector<16xi32>, vector<16xi32>, vector<16xi32>, vector<16xi32>], vector<16xf32>,
        %get3A_298 = arith.constant 96 : index
        %get3A_299 = tpu.vector_load %arg8[%get3A_298] {strides = array<i32>} : memref<192xi32, #tpu.memory_space<vmem>>, vector<16xi32>,
        %get3A_300 = arith.constant 96 : index
        %get3A_301 = tpu.vector_load %arg9[%get3A_300] {strides = array<i32>} : memref<192xi32, #tpu.memory_space<vmem>>, vector<16xi32>,
        %gather3A_302 = tpu.vector_load_idx %arg6[%broadcast_in_dim3A, %get3A_299, %broadcast_in_dim3A_269, %get3A_301] : memref<3x4x40x128xf32, #tpu.memory_space<vmem>>[vector<16xi32>, vector<16xi32>, vector<16xi32>, vector<16xi32>], vector<16xf32>,
        %get3A_303 = arith.constant 112 : index
        %get3A_304 = tpu.vector_load %arg8[%get3A_303] {strides = array<i32>} : memref<192xi32, #tpu.memory_space<vmem>>, vector<16xi32>,
        %get3A_305 = arith.constant 112 : index
        %get3A_306 = tpu.vector_load %arg9[%get3A_305] {strides = array<i32>} : memref<192xi32, #tpu.memory_space<vmem>>, vector<16xi32>,
        %gather3A_307 = tpu.vector_load_idx %arg6[%broadcast_in_dim3A, %get3A_304, %broadcast_in_dim3A_269, %get3A_306] : memref<3x4x40x128xf32, #tpu.memory_space<vmem>>[vector<16xi32>, vector<16xi32>, vector<16xi32>, vector<16xi32>], vector<16xf32>,
        %get3A_308 = arith.constant 128 : index
        %get3A_309 = tpu.vector_load %arg8[%get3A_308] {strides = array<i32>} : memref<192xi32, #tpu.memory_space<vmem>>, vector<16xi32>,
        %get3A_310 = arith.constant 128 : index
        %get3A_311 = tpu.vector_load %arg9[%get3A_310] {strides = array<i32>} : memref<192xi32, #tpu.memory_space<vmem>>, vector<16xi32>,
        %gather3A_312 = tpu.vector_load_idx %arg6[%broadcast_in_dim3A, %get3A_309, %broadcast_in_dim3A_269, %get3A_311] : memref<3x4x40x128xf32, #tpu.memory_space<vmem>>[vector<16xi32>, vector<16xi32>, vector<16xi32>, vector<16xi32>], vector<16xf32>,
        %get3A_313 = arith.constant 144 : index
        %get3A_314 = tpu.vector_load %arg8[%get3A_313] {strides = array<i32>} : memref<192xi32, #tpu.memory_space<vmem>>, vector<16xi32>,
        %get3A_315 = arith.constant 144 : index
        %get3A_316 = tpu.vector_load %arg9[%get3A_315] {strides = array<i32>} : memref<192xi32, #tpu.memory_space<vmem>>, vector<16xi32>,
        %gather3A_317 = tpu.vector_load_idx %arg6[%broadcast_in_dim3A, %get3A_314, %broadcast_in_dim3A_269, %get3A_316] : memref<3x4x40x128xf32, #tpu.memory_space<vmem>>[vector<16xi32>, vector<16xi32>, vector<16xi32>, vector<16xi32>], vector<16xf32>,
        %get3A_318 = arith.constant 160 : index
        %get3A_319 = tpu.vector_load %arg8[%get3A_318] {strides = array<i32>} : memref<192xi32, #tpu.memory_space<vmem>>, vector<16xi32>,
        %get3A_320 = arith.constant 160 : index
        %get3A_321 = tpu.vector_load %arg9[%get3A_320] {strides = array<i32>} : memref<192xi32, #tpu.memory_space<vmem>>, vector<16xi32>,
        %gather3A_322 = tpu.vector_load_idx %arg6[%broadcast_in_dim3A, %get3A_319, %broadcast_in_dim3A_269, %get3A_321] : memref<3x4x40x128xf32, #tpu.memory_space<vmem>>[vector<16xi32>, vector<16xi32>, vector<16xi32>, vector<16xi32>], vector<16xf32>,
        %get3A_323 = arith.constant 176 : index
        %get3A_324 = tpu.vector_load %arg8[%get3A_323] {strides = array<i32>} : memref<192xi32, #tpu.memory_space<vmem>>, vector<16xi32>,
        %get3A_325 = arith.constant 176 : index
        %get3A_326 = tpu.vector_load %arg9[%get3A_325] {strides = array<i32>} : memref<192xi32, #tpu.memory_space<vmem>>, vector<16xi32>,
        %gather3A_327 = tpu.vector_load_idx %arg6[%broadcast_in_dim3A, %get3A_324, %broadcast_in_dim3A_269, %get3A_326] : memref<3x4x40x128xf32, #tpu.memory_space<vmem>>[vector<16xi32>, vector<16xi32>, vector<16xi32>, vector<16xi32>], vector<16xf32>,
        %swap3A = arith.constant 1 : i32
        %swap3A_328 = arith.index_cast %select_n3A_60 : i32 to index
        %swap3A_329 = arith.index_cast %swap3A : i32 to index
        %swap3A_330 = arith.index_cast %scan3A_267 : i32 to index
        %swap3A_331 = arith.constant 0 : index
        %swap3A_332 = tpu.vector_load %arg6[%swap3A_328, %swap3A_329, %swap3A_330, %swap3A_331] {strides = array<i32>} : memref<3x4x40x128xf32, #tpu.memory_space<vmem>>, vector<16xf32>,
        tpu.vector_store %arg6[%swap3A_328, %swap3A_329, %swap3A_330, %swap3A_331], %gather3A {strides = array<i32>} : memref<3x4x40x128xf32, #tpu.memory_space<vmem>>, vector<16xf32>,
        %swap3A_333 = arith.constant 1 : i32
        %swap3A_334 = arith.index_cast %select_n3A_60 : i32 to index
        %swap3A_335 = arith.index_cast %swap3A_333 : i32 to index
        %swap3A_336 = arith.index_cast %scan3A_267 : i32 to index
        %swap3A_337 = arith.constant 16 : index
        %swap3A_338 = tpu.vector_load %arg6[%swap3A_334, %swap3A_335, %swap3A_336, %swap3A_337] {strides = array<i32>} : memref<3x4x40x128xf32, #tpu.memory_space<vmem>>, vector<16xf32>,
        tpu.vector_store %arg6[%swap3A_334, %swap3A_335, %swap3A_336, %swap3A_337], %gather3A_277 {strides = array<i32>} : memref<3x4x40x128xf32, #tpu.memory_space<vmem>>, vector<16xf32>,
        %swap3A_339 = arith.constant 1 : i32
        %swap3A_340 = arith.index_cast %select_n3A_60 : i32 to index
        %swap3A_341 = arith.index_cast %swap3A_339 : i32 to index
        %swap3A_342 = arith.index_cast %scan3A_267 : i32 to index
        %swap3A_343 = arith.constant 32 : index
        %swap3A_344 = tpu.vector_load %arg6[%swap3A_340, %swap3A_341, %swap3A_342, %swap3A_343] {strides = array<i32>} : memref<3x4x40x128xf32, #tpu.memory_space<vmem>>, vector<16xf32>,
        tpu.vector_store %arg6[%swap3A_340, %swap3A_341, %swap3A_342, %swap3A_343], %gather3A_282 {strides = array<i32>} : memref<3x4x40x128xf32, #tpu.memory_space<vmem>>, vector<16xf32>,
        %swap3A_345 = arith.constant 1 : i32
        %swap3A_346 = arith.index_cast %select_n3A_60 : i32 to index
        %swap3A_347 = arith.index_cast %swap3A_345 : i32 to index
        %swap3A_348 = arith.index_cast %scan3A_267 : i32 to index
        %swap3A_349 = arith.constant 48 : index
        %swap3A_350 = tpu.vector_load %arg6[%swap3A_346, %swap3A_347, %swap3A_348, %swap3A_349] {strides = array<i32>} : memref<3x4x40x128xf32, #tpu.memory_space<vmem>>, vector<16xf32>,
        tpu.vector_store %arg6[%swap3A_346, %swap3A_347, %swap3A_348, %swap3A_349], %gather3A_287 {strides = array<i32>} : memref<3x4x40x128xf32, #tpu.memory_space<vmem>>, vector<16xf32>,
        %swap3A_351 = arith.constant 1 : i32
        %swap3A_352 = arith.index_cast %select_n3A_60 : i32 to index
        %swap3A_353 = arith.index_cast %swap3A_351 : i32 to index
        %swap3A_354 = arith.index_cast %scan3A_267 : i32 to index
        %swap3A_355 = arith.constant 64 : index
        %swap3A_356 = tpu.vector_load %arg6[%swap3A_352, %swap3A_353, %swap3A_354, %swap3A_355] {strides = array<i32>} : memref<3x4x40x128xf32, #tpu.memory_space<vmem>>, vector<16xf32>,
        tpu.vector_store %arg6[%swap3A_352, %swap3A_353, %swap3A_354, %swap3A_355], %gather3A_292 {strides = array<i32>} : memref<3x4x40x128xf32, #tpu.memory_space<vmem>>, vector<16xf32>,
        %swap3A_357 = arith.constant 1 : i32
        %swap3A_358 = arith.index_cast %select_n3A_60 : i32 to index
        %swap3A_359 = arith.index_cast %swap3A_357 : i32 to index
        %swap3A_360 = arith.index_cast %scan3A_267 : i32 to index
        %swap3A_361 = arith.constant 80 : index
        %swap3A_362 = tpu.vector_load %arg6[%swap3A_358, %swap3A_359, %swap3A_360, %swap3A_361] {strides = array<i32>} : memref<3x4x40x128xf32, #tpu.memory_space<vmem>>, vector<16xf32>,
        tpu.vector_store %arg6[%swap3A_358, %swap3A_359, %swap3A_360, %swap3A_361], %gather3A_297 {strides = array<i32>} : memref<3x4x40x128xf32, #tpu.memory_space<vmem>>, vector<16xf32>,
        %swap3A_363 = arith.constant 1 : i32
        %swap3A_364 = arith.index_cast %select_n3A_60 : i32 to index
        %swap3A_365 = arith.index_cast %swap3A_363 : i32 to index
        %swap3A_366 = arith.index_cast %scan3A_267 : i32 to index
        %swap3A_367 = arith.constant 96 : index
        %swap3A_368 = tpu.vector_load %arg6[%swap3A_364, %swap3A_365, %swap3A_366, %swap3A_367] {strides = array<i32>} : memref<3x4x40x128xf32, #tpu.memory_space<vmem>>, vector<16xf32>,
        tpu.vector_store %arg6[%swap3A_364, %swap3A_365, %swap3A_366, %swap3A_367], %gather3A_302 {strides = array<i32>} : memref<3x4x40x128xf32, #tpu.memory_space<vmem>>, vector<16xf32>,
        %swap3A_369 = arith.constant 1 : i32
        %swap3A_370 = arith.index_cast %select_n3A_60 : i32 to index
        %swap3A_371 = arith.index_cast %swap3A_369 : i32 to index
        %swap3A_372 = arith.index_cast %scan3A_267 : i32 to index
        %swap3A_373 = arith.constant 112 : index
        %swap3A_374 = tpu.vector_load %arg6[%swap3A_370, %swap3A_371, %swap3A_372, %swap3A_373] {strides = array<i32>} : memref<3x4x40x128xf32, #tpu.memory_space<vmem>>, vector<16xf32>,
        tpu.vector_store %arg6[%swap3A_370, %swap3A_371, %swap3A_372, %swap3A_373], %gather3A_307 {strides = array<i32>} : memref<3x4x40x128xf32, #tpu.memory_space<vmem>>, vector<16xf32>,
        %swap3A_375 = arith.constant 2 : i32
        %swap3A_376 = arith.index_cast %select_n3A_60 : i32 to index
        %swap3A_377 = arith.index_cast %swap3A_375 : i32 to index
        %swap3A_378 = arith.index_cast %scan3A_267 : i32 to index
        %swap3A_379 = arith.constant 0 : index
        %swap3A_380 = tpu.vector_load %arg6[%swap3A_376, %swap3A_377, %swap3A_378, %swap3A_379] {strides = array<i32>} : memref<3x4x40x128xf32, #tpu.memory_space<vmem>>, vector<16xf32>,
        tpu.vector_store %arg6[%swap3A_376, %swap3A_377, %swap3A_378, %swap3A_379], %gather3A_312 {strides = array<i32>} : memref<3x4x40x128xf32, #tpu.memory_space<vmem>>, vector<16xf32>,
        %swap3A_381 = arith.constant 2 : i32
        %swap3A_382 = arith.index_cast %select_n3A_60 : i32 to index
        %swap3A_383 = arith.index_cast %swap3A_381 : i32 to index
        %swap3A_384 = arith.index_cast %scan3A_267 : i32 to index
        %swap3A_385 = arith.constant 16 : index
        %swap3A_386 = tpu.vector_load %arg6[%swap3A_382, %swap3A_383, %swap3A_384, %swap3A_385] {strides = array<i32>} : memref<3x4x40x128xf32, #tpu.memory_space<vmem>>, vector<16xf32>,
        tpu.vector_store %arg6[%swap3A_382, %swap3A_383, %swap3A_384, %swap3A_385], %gather3A_317 {strides = array<i32>} : memref<3x4x40x128xf32, #tpu.memory_space<vmem>>, vector<16xf32>,
        %swap3A_387 = arith.constant 2 : i32
        %swap3A_388 = arith.index_cast %select_n3A_60 : i32 to index
        %swap3A_389 = arith.index_cast %swap3A_387 : i32 to index
        %swap3A_390 = arith.index_cast %scan3A_267 : i32 to index
        %swap3A_391 = arith.constant 32 : index
        %swap3A_392 = tpu.vector_load %arg6[%swap3A_388, %swap3A_389, %swap3A_390, %swap3A_391] {strides = array<i32>} : memref<3x4x40x128xf32, #tpu.memory_space<vmem>>, vector<16xf32>,
        tpu.vector_store %arg6[%swap3A_388, %swap3A_389, %swap3A_390, %swap3A_391], %gather3A_322 {strides = array<i32>} : memref<3x4x40x128xf32, #tpu.memory_space<vmem>>, vector<16xf32>,
        %swap3A_393 = arith.constant 2 : i32
        %swap3A_394 = arith.index_cast %select_n3A_60 : i32 to index
        %swap3A_395 = arith.index_cast %swap3A_393 : i32 to index
        %swap3A_396 = arith.index_cast %scan3A_267 : i32 to index
        %swap3A_397 = arith.constant 48 : index
        %swap3A_398 = tpu.vector_load %arg6[%swap3A_394, %swap3A_395, %swap3A_396, %swap3A_397] {strides = array<i32>} : memref<3x4x40x128xf32, #tpu.memory_space<vmem>>, vector<16xf32>,
        tpu.vector_store %arg6[%swap3A_394, %swap3A_395, %swap3A_396, %swap3A_397], %gather3A_327 {strides = array<i32>} : memref<3x4x40x128xf32, #tpu.memory_space<vmem>>, vector<16xf32>,
        %scan3A_399 = arith.constant 0 : i32
        scf.yield %scan3A_399 : i32
      }
      %scan3A_160 = arith.constant 40 : i32
      %ge3A_161 = arith.constant 1 : i32
      %ge3A_162 = arith.cmpi sge, %while3A_45, %ge3A_161 : i32
      %convert_element_type3A_163 = arith.extui %ge3A_162 : i1 to i32
      %cond3A_164 = arith.constant 0 : i32
      %cond3A_165 = arith.cmpi ne, %convert_element_type3A_163, %cond3A_164 : i32
      scf.if %cond3A_165 {
        %sub3A_267 = arith.constant 1 : i32
        %sub3A_268 = arith.subi %while3A_45, %sub3A_267 : i32
        %mul3A_269 = arith.constant 32 : i32
        %mul3A_270 = arith.muli %sub3A_268, %mul3A_269 : i32
        %add3A_271 = arith.addi %add3A, %mul3A_270 : i32
        %mul3A_272 = arith.constant 40 : i32
        %mul3A_273 = arith.muli %add3A_271, %mul3A_272 : i32
        %jit3A_274 = arith.constant 3 : i32
        %eq3A_275 = arith.constant 0 : i32
        %eq3A_276 = arith.cmpi eq, %jit3A_274, %eq3A_275 : i32
        %jit3A_277 = arith.constant 1 : i32
        %select_n3A_278 = arith.select %eq3A_276, %jit3A_277, %jit3A_274 : i32
        %rem3A_279 = arith.remsi %sub3A_268, %select_n3A_278 : i32
        %ne3A_280 = arith.constant 0 : i32
        %ne3A_281 = arith.cmpi ne, %rem3A_279, %ne3A_280 : i32
        %lt3A_282 = arith.constant 0 : i32
        %lt3A_283 = arith.cmpi slt, %rem3A_279, %lt3A_282 : i32
        %lt3A_284 = arith.constant 0 : i32
        %lt3A_285 = arith.cmpi slt, %select_n3A_278, %lt3A_284 : i32
        %ne3A_286 = arith.xori %lt3A_283, %lt3A_285 : i1
        %and3A_287 = arith.andi %ne3A_286, %ne3A_281 : i1
        %add3A_288 = arith.addi %rem3A_279, %select_n3A_278 : i32
        %select_n3A_289 = arith.select %and3A_287, %add3A_288, %rem3A_279 : i32
        %dma_wait3A_290 = arith.constant 0 : i32
        %dma_wait3A_291 = arith.constant 0 : i32
        %dma_wait3A_292 = arith.constant 0 : i32
        %dma_wait3A_293 = tpu.memref_slice %arg6[%select_n3A_289, %dma_wait3A_290, %dma_wait3A_291, %dma_wait3A_292] : memref<3x4x40x128xf32, #tpu.memory_space<vmem>> -> memref<1x1x40x128xf32, #tpu.memory_space<vmem>>
        %dma_wait3A_294 = tpu.memref_squeeze %dma_wait3A_293 : memref<1x1x40x128xf32, #tpu.memory_space<vmem>> -> memref<40x128xf32, #tpu.memory_space<vmem>>
        %dma_wait3A_295 = arith.constant 0 : i32
        %dma_wait3A_296 = tpu.memref_slice %arg5[%mul3A_273, %dma_wait3A_295] : memref<50000x592xf32, #tpu.memory_space<hbm>> -> memref<40x128xf32, #tpu.memory_space<hbm>>
        %dma_wait3A_297 = tpu.memref_slice %arg11[%select_n3A_289] : memref<3x!tpu.dma_semaphore, #tpu.memory_space<semaphore_mem>> -> memref<1x!tpu.dma_semaphore, #tpu.memory_space<semaphore_mem>>
        %dma_wait3A_298 = tpu.memref_squeeze %dma_wait3A_297 : memref<1x!tpu.dma_semaphore, #tpu.memory_space<semaphore_mem>> -> memref<!tpu.dma_semaphore, #tpu.memory_space<semaphore_mem>>
        %dma_wait3A_299 = arith.constant 0 : i32
        %dma_wait3A_300 = tpu.memref_slice %arg5[%mul3A_273, %dma_wait3A_299] : memref<50000x592xf32, #tpu.memory_space<hbm>> -> memref<40x128xf32, #tpu.memory_space<hbm>>
        %dma_wait3A_301 = arith.constant 0 : i32
        %dma_wait3A_302 = arith.constant 0 : i32
        %dma_wait3A_303 = tpu.memref_slice %arg6[%select_n3A_289, %dma_wait3A_290, %dma_wait3A_301, %dma_wait3A_302] : memref<3x4x40x128xf32, #tpu.memory_space<vmem>> -> memref<1x1x40x128xf32, #tpu.memory_space<vmem>>
        %dma_wait3A_304 = tpu.memref_squeeze %dma_wait3A_303 : memref<1x1x40x128xf32, #tpu.memory_space<vmem>> -> memref<40x128xf32, #tpu.memory_space<vmem>>
        tpu.wait_dma2 semaphore(%dma_wait3A_298 : memref<!tpu.dma_semaphore, #tpu.memory_space<semaphore_mem>>) src(%dma_wait3A_304 : memref<40x128xf32, #tpu.memory_space<vmem>>) dst(%dma_wait3A_300 : memref<40x128xf32, #tpu.memory_space<hbm>>)
        %dma_wait3A_305 = arith.constant 1 : i32
        %dma_wait3A_306 = arith.constant 0 : i32
        %dma_wait3A_307 = arith.constant 0 : i32
        %dma_wait3A_308 = tpu.memref_slice %arg6[%select_n3A_289, %dma_wait3A_305, %dma_wait3A_306, %dma_wait3A_307] : memref<3x4x40x128xf32, #tpu.memory_space<vmem>> -> memref<1x1x40x128xf32, #tpu.memory_space<vmem>>
        %dma_wait3A_309 = tpu.memref_squeeze %dma_wait3A_308 : memref<1x1x40x128xf32, #tpu.memory_space<vmem>> -> memref<40x128xf32, #tpu.memory_space<vmem>>
        %dma_wait3A_310 = arith.constant 128 : i32
        %dma_wait3A_311 = tpu.memref_slice %arg5[%mul3A_273, %dma_wait3A_310] : memref<50000x592xf32, #tpu.memory_space<hbm>> -> memref<40x128xf32, #tpu.memory_space<hbm>>
        %dma_wait3A_312 = tpu.memref_slice %arg11[%select_n3A_289] : memref<3x!tpu.dma_semaphore, #tpu.memory_space<semaphore_mem>> -> memref<1x!tpu.dma_semaphore, #tpu.memory_space<semaphore_mem>>
        %dma_wait3A_313 = tpu.memref_squeeze %dma_wait3A_312 : memref<1x!tpu.dma_semaphore, #tpu.memory_space<semaphore_mem>> -> memref<!tpu.dma_semaphore, #tpu.memory_space<semaphore_mem>>
        %dma_wait3A_314 = arith.constant 128 : i32
        %dma_wait3A_315 = tpu.memref_slice %arg5[%mul3A_273, %dma_wait3A_314] : memref<50000x592xf32, #tpu.memory_space<hbm>> -> memref<40x128xf32, #tpu.memory_space<hbm>>
        %dma_wait3A_316 = arith.constant 0 : i32
        %dma_wait3A_317 = arith.constant 0 : i32
        %dma_wait3A_318 = tpu.memref_slice %arg6[%select_n3A_289, %dma_wait3A_305, %dma_wait3A_316, %dma_wait3A_317] : memref<3x4x40x128xf32, #tpu.memory_space<vmem>> -> memref<1x1x40x128xf32, #tpu.memory_space<vmem>>
        %dma_wait3A_319 = tpu.memref_squeeze %dma_wait3A_318 : memref<1x1x40x128xf32, #tpu.memory_space<vmem>> -> memref<40x128xf32, #tpu.memory_space<vmem>>
        tpu.wait_dma2 semaphore(%dma_wait3A_313 : memref<!tpu.dma_semaphore, #tpu.memory_space<semaphore_mem>>) src(%dma_wait3A_319 : memref<40x128xf32, #tpu.memory_space<vmem>>) dst(%dma_wait3A_315 : memref<40x128xf32, #tpu.memory_space<hbm>>)
        %dma_wait3A_320 = arith.constant 2 : i32
        %dma_wait3A_321 = arith.constant 0 : i32
        %dma_wait3A_322 = arith.constant 0 : i32
        %dma_wait3A_323 = tpu.memref_slice %arg6[%select_n3A_289, %dma_wait3A_320, %dma_wait3A_321, %dma_wait3A_322] : memref<3x4x40x128xf32, #tpu.memory_space<vmem>> -> memref<1x1x40x128xf32, #tpu.memory_space<vmem>>
        %dma_wait3A_324 = tpu.memref_squeeze %dma_wait3A_323 : memref<1x1x40x128xf32, #tpu.memory_space<vmem>> -> memref<40x128xf32, #tpu.memory_space<vmem>>
        %dma_wait3A_325 = arith.constant 256 : i32
        %dma_wait3A_326 = tpu.memref_slice %arg5[%mul3A_273, %dma_wait3A_325] : memref<50000x592xf32, #tpu.memory_space<hbm>> -> memref<40x128xf32, #tpu.memory_space<hbm>>
        %dma_wait3A_327 = tpu.memref_slice %arg11[%select_n3A_289] : memref<3x!tpu.dma_semaphore, #tpu.memory_space<semaphore_mem>> -> memref<1x!tpu.dma_semaphore, #tpu.memory_space<semaphore_mem>>
        %dma_wait3A_328 = tpu.memref_squeeze %dma_wait3A_327 : memref<1x!tpu.dma_semaphore, #tpu.memory_space<semaphore_mem>> -> memref<!tpu.dma_semaphore, #tpu.memory_space<semaphore_mem>>
        %dma_wait3A_329 = arith.constant 256 : i32
        %dma_wait3A_330 = tpu.memref_slice %arg5[%mul3A_273, %dma_wait3A_329] : memref<50000x592xf32, #tpu.memory_space<hbm>> -> memref<40x128xf32, #tpu.memory_space<hbm>>
        %dma_wait3A_331 = arith.constant 0 : i32
        %dma_wait3A_332 = arith.constant 0 : i32
        %dma_wait3A_333 = tpu.memref_slice %arg6[%select_n3A_289, %dma_wait3A_320, %dma_wait3A_331, %dma_wait3A_332] : memref<3x4x40x128xf32, #tpu.memory_space<vmem>> -> memref<1x1x40x128xf32, #tpu.memory_space<vmem>>
        %dma_wait3A_334 = tpu.memref_squeeze %dma_wait3A_333 : memref<1x1x40x128xf32, #tpu.memory_space<vmem>> -> memref<40x128xf32, #tpu.memory_space<vmem>>
        tpu.wait_dma2 semaphore(%dma_wait3A_328 : memref<!tpu.dma_semaphore, #tpu.memory_space<semaphore_mem>>) src(%dma_wait3A_334 : memref<40x128xf32, #tpu.memory_space<vmem>>) dst(%dma_wait3A_330 : memref<40x128xf32, #tpu.memory_space<hbm>>)
        %dma_wait3A_335 = arith.constant 3 : i32
        %dma_wait3A_336 = arith.constant 0 : i32
        %dma_wait3A_337 = arith.constant 0 : i32
        %dma_wait3A_338 = tpu.memref_slice %arg6[%select_n3A_289, %dma_wait3A_335, %dma_wait3A_336, %dma_wait3A_337] : memref<3x4x40x128xf32, #tpu.memory_space<vmem>> -> memref<1x1x40x128xf32, #tpu.memory_space<vmem>>
        %dma_wait3A_339 = tpu.memref_squeeze %dma_wait3A_338 : memref<1x1x40x128xf32, #tpu.memory_space<vmem>> -> memref<40x128xf32, #tpu.memory_space<vmem>>
        %dma_wait3A_340 = arith.constant 384 : i32
        %dma_wait3A_341 = tpu.memref_slice %arg5[%mul3A_273, %dma_wait3A_340] : memref<50000x592xf32, #tpu.memory_space<hbm>> -> memref<40x128xf32, #tpu.memory_space<hbm>>
        %dma_wait3A_342 = tpu.memref_slice %arg11[%select_n3A_289] : memref<3x!tpu.dma_semaphore, #tpu.memory_space<semaphore_mem>> -> memref<1x!tpu.dma_semaphore, #tpu.memory_space<semaphore_mem>>
        %dma_wait3A_343 = tpu.memref_squeeze %dma_wait3A_342 : memref<1x!tpu.dma_semaphore, #tpu.memory_space<semaphore_mem>> -> memref<!tpu.dma_semaphore, #tpu.memory_space<semaphore_mem>>
        %dma_wait3A_344 = arith.constant 384 : i32
        %dma_wait3A_345 = tpu.memref_slice %arg5[%mul3A_273, %dma_wait3A_344] : memref<50000x592xf32, #tpu.memory_space<hbm>> -> memref<40x128xf32, #tpu.memory_space<hbm>>
        %dma_wait3A_346 = arith.constant 0 : i32
        %dma_wait3A_347 = arith.constant 0 : i32
        %dma_wait3A_348 = tpu.memref_slice %arg6[%select_n3A_289, %dma_wait3A_335, %dma_wait3A_346, %dma_wait3A_347] : memref<3x4x40x128xf32, #tpu.memory_space<vmem>> -> memref<1x1x40x128xf32, #tpu.memory_space<vmem>>
        %dma_wait3A_349 = tpu.memref_squeeze %dma_wait3A_348 : memref<1x1x40x128xf32, #tpu.memory_space<vmem>> -> memref<40x128xf32, #tpu.memory_space<vmem>>
        tpu.wait_dma2 semaphore(%dma_wait3A_343 : memref<!tpu.dma_semaphore, #tpu.memory_space<semaphore_mem>>) src(%dma_wait3A_349 : memref<40x128xf32, #tpu.memory_space<vmem>>) dst(%dma_wait3A_345 : memref<40x128xf32, #tpu.memory_space<hbm>>)
        %dma_wait3A_350 = arith.constant 0 : i32
        %dma_wait3A_351 = arith.constant 0 : i32
        %dma_wait3A_352 = tpu.memref_slice %arg7[%select_n3A_289, %dma_wait3A_350, %dma_wait3A_351] : memref<3x40x80xf32, #tpu.memory_space<vmem>> -> memref<1x40x80xf32, #tpu.memory_space<vmem>>
        %dma_wait3A_353 = tpu.memref_squeeze %dma_wait3A_352 : memref<1x40x80xf32, #tpu.memory_space<vmem>> -> memref<40x80xf32, #tpu.memory_space<vmem>>
        %dma_wait3A_354 = arith.constant 512 : i32
        %dma_wait3A_355 = tpu.memref_slice %arg5[%mul3A_273, %dma_wait3A_354] : memref<50000x592xf32, #tpu.memory_space<hbm>> -> memref<40x80xf32, #tpu.memory_space<hbm>>
        %dma_wait3A_356 = tpu.memref_slice %arg11[%select_n3A_289] : memref<3x!tpu.dma_semaphore, #tpu.memory_space<semaphore_mem>> -> memref<1x!tpu.dma_semaphore, #tpu.memory_space<semaphore_mem>>
        %dma_wait3A_357 = tpu.memref_squeeze %dma_wait3A_356 : memref<1x!tpu.dma_semaphore, #tpu.memory_space<semaphore_mem>> -> memref<!tpu.dma_semaphore, #tpu.memory_space<semaphore_mem>>
        %dma_wait3A_358 = arith.constant 512 : i32
        %dma_wait3A_359 = tpu.memref_slice %arg5[%mul3A_273, %dma_wait3A_358] : memref<50000x592xf32, #tpu.memory_space<hbm>> -> memref<40x80xf32, #tpu.memory_space<hbm>>
        %dma_wait3A_360 = arith.constant 0 : i32
        %dma_wait3A_361 = arith.constant 0 : i32
        %dma_wait3A_362 = tpu.memref_slice %arg7[%select_n3A_289, %dma_wait3A_360, %dma_wait3A_361] : memref<3x40x80xf32, #tpu.memory_space<vmem>> -> memref<1x40x80xf32, #tpu.memory_space<vmem>>
        %dma_wait3A_363 = tpu.memref_squeeze %dma_wait3A_362 : memref<1x40x80xf32, #tpu.memory_space<vmem>> -> memref<40x80xf32, #tpu.memory_space<vmem>>
        tpu.wait_dma2 semaphore(%dma_wait3A_357 : memref<!tpu.dma_semaphore, #tpu.memory_space<semaphore_mem>>) src(%dma_wait3A_363 : memref<40x80xf32, #tpu.memory_space<vmem>>) dst(%dma_wait3A_359 : memref<40x80xf32, #tpu.memory_space<hbm>>)
      } else {
      }
      %add3A_166 = arith.constant 2 : i32
      %add3A_167 = arith.addi %while3A_45, %add3A_166 : i32
      %lt3A_168 = arith.cmpi slt, %add3A_167, %select_n3A : i32
      %convert_element_type3A_169 = arith.extui %lt3A_168 : i1 to i32
      %cond3A_170 = arith.constant 0 : i32
      %cond3A_171 = arith.cmpi ne, %convert_element_type3A_169, %cond3A_170 : i32
      scf.if %cond3A_171 {
        %add3A_267 = arith.constant 2 : i32
        %add3A_268 = arith.addi %while3A_45, %add3A_267 : i32
        %mul3A_269 = arith.constant 32 : i32
        %mul3A_270 = arith.muli %add3A_268, %mul3A_269 : i32
        %add3A_271 = arith.addi %add3A, %mul3A_270 : i32
        %mul3A_272 = arith.constant 40 : i32
        %mul3A_273 = arith.muli %add3A_271, %mul3A_272 : i32
        %jit3A_274 = arith.constant 3 : i32
        %eq3A_275 = arith.constant 0 : i32
        %eq3A_276 = arith.cmpi eq, %jit3A_274, %eq3A_275 : i32
        %jit3A_277 = arith.constant 1 : i32
        %select_n3A_278 = arith.select %eq3A_276, %jit3A_277, %jit3A_274 : i32
        %rem3A_279 = arith.remsi %add3A_268, %select_n3A_278 : i32
        %ne3A_280 = arith.constant 0 : i32
        %ne3A_281 = arith.cmpi ne, %rem3A_279, %ne3A_280 : i32
        %lt3A_282 = arith.constant 0 : i32
        %lt3A_283 = arith.cmpi slt, %rem3A_279, %lt3A_282 : i32
        %lt3A_284 = arith.constant 0 : i32
        %lt3A_285 = arith.cmpi slt, %select_n3A_278, %lt3A_284 : i32
        %ne3A_286 = arith.xori %lt3A_283, %lt3A_285 : i1
        %and3A_287 = arith.andi %ne3A_286, %ne3A_281 : i1
        %add3A_288 = arith.addi %rem3A_279, %select_n3A_278 : i32
        %select_n3A_289 = arith.select %and3A_287, %add3A_288, %rem3A_279 : i32
        %dma_start3A_290 = arith.constant 0 : i32
        %dma_start3A_291 = arith.constant 0 : i32
        %dma_start3A_292 = arith.constant 0 : i32
        %dma_start3A_293 = tpu.memref_slice %arg6[%select_n3A_289, %dma_start3A_290, %dma_start3A_291, %dma_start3A_292] : memref<3x4x40x128xf32, #tpu.memory_space<vmem>> -> memref<1x1x40x128xf32, #tpu.memory_space<vmem>>
        %dma_start3A_294 = tpu.memref_squeeze %dma_start3A_293 : memref<1x1x40x128xf32, #tpu.memory_space<vmem>> -> memref<40x128xf32, #tpu.memory_space<vmem>>
        %dma_start3A_295 = arith.constant 0 : i32
        %dma_start3A_296 = tpu.memref_slice %arg2[%mul3A_273, %dma_start3A_295] : memref<50000x592xf32, #tpu.memory_space<hbm>> -> memref<40x128xf32, #tpu.memory_space<hbm>>
        %dma_start3A_297 = tpu.memref_slice %arg10[%select_n3A_289] : memref<3x!tpu.dma_semaphore, #tpu.memory_space<semaphore_mem>> -> memref<1x!tpu.dma_semaphore, #tpu.memory_space<semaphore_mem>>
        %dma_start3A_298 = tpu.memref_squeeze %dma_start3A_297 : memref<1x!tpu.dma_semaphore, #tpu.memory_space<semaphore_mem>> -> memref<!tpu.dma_semaphore, #tpu.memory_space<semaphore_mem>>
        %dma_start3A_299 = arith.constant 0 : i32
        %dma_start3A_300 = arith.constant 0 : i32
        %dma_start3A_301 = tpu.memref_slice %arg6[%select_n3A_289, %dma_start3A_290, %dma_start3A_299, %dma_start3A_300] : memref<3x4x40x128xf32, #tpu.memory_space<vmem>> -> memref<1x1x40x128xf32, #tpu.memory_space<vmem>>
        %dma_start3A_302 = tpu.memref_squeeze %dma_start3A_301 : memref<1x1x40x128xf32, #tpu.memory_space<vmem>> -> memref<40x128xf32, #tpu.memory_space<vmem>>
        %dma_start3A_303 = arith.constant 0 : i32
        %dma_start3A_304 = tpu.memref_slice %arg2[%mul3A_273, %dma_start3A_303] : memref<50000x592xf32, #tpu.memory_space<hbm>> -> memref<40x128xf32, #tpu.memory_space<hbm>>
        tpu.enqueue_dma source(%dma_start3A_304 : memref<40x128xf32, #tpu.memory_space<hbm>>) target(%dma_start3A_302 : memref<40x128xf32, #tpu.memory_space<vmem>>) target_semaphore(%dma_start3A_298 : memref<!tpu.dma_semaphore, #tpu.memory_space<semaphore_mem>>)
        %dma_start3A_305 = arith.constant 1 : i32
        %dma_start3A_306 = arith.constant 0 : i32
        %dma_start3A_307 = arith.constant 0 : i32
        %dma_start3A_308 = tpu.memref_slice %arg6[%select_n3A_289, %dma_start3A_305, %dma_start3A_306, %dma_start3A_307] : memref<3x4x40x128xf32, #tpu.memory_space<vmem>> -> memref<1x1x40x128xf32, #tpu.memory_space<vmem>>
        %dma_start3A_309 = tpu.memref_squeeze %dma_start3A_308 : memref<1x1x40x128xf32, #tpu.memory_space<vmem>> -> memref<40x128xf32, #tpu.memory_space<vmem>>
        %dma_start3A_310 = arith.constant 128 : i32
        %dma_start3A_311 = tpu.memref_slice %arg2[%mul3A_273, %dma_start3A_310] : memref<50000x592xf32, #tpu.memory_space<hbm>> -> memref<40x128xf32, #tpu.memory_space<hbm>>
        %dma_start3A_312 = tpu.memref_slice %arg10[%select_n3A_289] : memref<3x!tpu.dma_semaphore, #tpu.memory_space<semaphore_mem>> -> memref<1x!tpu.dma_semaphore, #tpu.memory_space<semaphore_mem>>
        %dma_start3A_313 = tpu.memref_squeeze %dma_start3A_312 : memref<1x!tpu.dma_semaphore, #tpu.memory_space<semaphore_mem>> -> memref<!tpu.dma_semaphore, #tpu.memory_space<semaphore_mem>>
        %dma_start3A_314 = arith.constant 0 : i32
        %dma_start3A_315 = arith.constant 0 : i32
        %dma_start3A_316 = tpu.memref_slice %arg6[%select_n3A_289, %dma_start3A_305, %dma_start3A_314, %dma_start3A_315] : memref<3x4x40x128xf32, #tpu.memory_space<vmem>> -> memref<1x1x40x128xf32, #tpu.memory_space<vmem>>
        %dma_start3A_317 = tpu.memref_squeeze %dma_start3A_316 : memref<1x1x40x128xf32, #tpu.memory_space<vmem>> -> memref<40x128xf32, #tpu.memory_space<vmem>>
        %dma_start3A_318 = arith.constant 128 : i32
        %dma_start3A_319 = tpu.memref_slice %arg2[%mul3A_273, %dma_start3A_318] : memref<50000x592xf32, #tpu.memory_space<hbm>> -> memref<40x128xf32, #tpu.memory_space<hbm>>
        tpu.enqueue_dma source(%dma_start3A_319 : memref<40x128xf32, #tpu.memory_space<hbm>>) target(%dma_start3A_317 : memref<40x128xf32, #tpu.memory_space<vmem>>) target_semaphore(%dma_start3A_313 : memref<!tpu.dma_semaphore, #tpu.memory_space<semaphore_mem>>)
        %dma_start3A_320 = arith.constant 2 : i32
        %dma_start3A_321 = arith.constant 0 : i32
        %dma_start3A_322 = arith.constant 0 : i32
        %dma_start3A_323 = tpu.memref_slice %arg6[%select_n3A_289, %dma_start3A_320, %dma_start3A_321, %dma_start3A_322] : memref<3x4x40x128xf32, #tpu.memory_space<vmem>> -> memref<1x1x40x128xf32, #tpu.memory_space<vmem>>
        %dma_start3A_324 = tpu.memref_squeeze %dma_start3A_323 : memref<1x1x40x128xf32, #tpu.memory_space<vmem>> -> memref<40x128xf32, #tpu.memory_space<vmem>>
        %dma_start3A_325 = arith.constant 256 : i32
        %dma_start3A_326 = tpu.memref_slice %arg2[%mul3A_273, %dma_start3A_325] : memref<50000x592xf32, #tpu.memory_space<hbm>> -> memref<40x128xf32, #tpu.memory_space<hbm>>
        %dma_start3A_327 = tpu.memref_slice %arg10[%select_n3A_289] : memref<3x!tpu.dma_semaphore, #tpu.memory_space<semaphore_mem>> -> memref<1x!tpu.dma_semaphore, #tpu.memory_space<semaphore_mem>>
        %dma_start3A_328 = tpu.memref_squeeze %dma_start3A_327 : memref<1x!tpu.dma_semaphore, #tpu.memory_space<semaphore_mem>> -> memref<!tpu.dma_semaphore, #tpu.memory_space<semaphore_mem>>
        %dma_start3A_329 = arith.constant 0 : i32
        %dma_start3A_330 = arith.constant 0 : i32
        %dma_start3A_331 = tpu.memref_slice %arg6[%select_n3A_289, %dma_start3A_320, %dma_start3A_329, %dma_start3A_330] : memref<3x4x40x128xf32, #tpu.memory_space<vmem>> -> memref<1x1x40x128xf32, #tpu.memory_space<vmem>>
        %dma_start3A_332 = tpu.memref_squeeze %dma_start3A_331 : memref<1x1x40x128xf32, #tpu.memory_space<vmem>> -> memref<40x128xf32, #tpu.memory_space<vmem>>
        %dma_start3A_333 = arith.constant 256 : i32
        %dma_start3A_334 = tpu.memref_slice %arg2[%mul3A_273, %dma_start3A_333] : memref<50000x592xf32, #tpu.memory_space<hbm>> -> memref<40x128xf32, #tpu.memory_space<hbm>>
        tpu.enqueue_dma source(%dma_start3A_334 : memref<40x128xf32, #tpu.memory_space<hbm>>) target(%dma_start3A_332 : memref<40x128xf32, #tpu.memory_space<vmem>>) target_semaphore(%dma_start3A_328 : memref<!tpu.dma_semaphore, #tpu.memory_space<semaphore_mem>>)
        %dma_start3A_335 = arith.constant 3 : i32
        %dma_start3A_336 = arith.constant 0 : i32
        %dma_start3A_337 = arith.constant 0 : i32
        %dma_start3A_338 = tpu.memref_slice %arg6[%select_n3A_289, %dma_start3A_335, %dma_start3A_336, %dma_start3A_337] : memref<3x4x40x128xf32, #tpu.memory_space<vmem>> -> memref<1x1x40x128xf32, #tpu.memory_space<vmem>>
        %dma_start3A_339 = tpu.memref_squeeze %dma_start3A_338 : memref<1x1x40x128xf32, #tpu.memory_space<vmem>> -> memref<40x128xf32, #tpu.memory_space<vmem>>
        %dma_start3A_340 = arith.constant 384 : i32
        %dma_start3A_341 = tpu.memref_slice %arg2[%mul3A_273, %dma_start3A_340] : memref<50000x592xf32, #tpu.memory_space<hbm>> -> memref<40x128xf32, #tpu.memory_space<hbm>>
        %dma_start3A_342 = tpu.memref_slice %arg10[%select_n3A_289] : memref<3x!tpu.dma_semaphore, #tpu.memory_space<semaphore_mem>> -> memref<1x!tpu.dma_semaphore, #tpu.memory_space<semaphore_mem>>
        %dma_start3A_343 = tpu.memref_squeeze %dma_start3A_342 : memref<1x!tpu.dma_semaphore, #tpu.memory_space<semaphore_mem>> -> memref<!tpu.dma_semaphore, #tpu.memory_space<semaphore_mem>>
        %dma_start3A_344 = arith.constant 0 : i32
        %dma_start3A_345 = arith.constant 0 : i32
        %dma_start3A_346 = tpu.memref_slice %arg6[%select_n3A_289, %dma_start3A_335, %dma_start3A_344, %dma_start3A_345] : memref<3x4x40x128xf32, #tpu.memory_space<vmem>> -> memref<1x1x40x128xf32, #tpu.memory_space<vmem>>
        %dma_start3A_347 = tpu.memref_squeeze %dma_start3A_346 : memref<1x1x40x128xf32, #tpu.memory_space<vmem>> -> memref<40x128xf32, #tpu.memory_space<vmem>>
        %dma_start3A_348 = arith.constant 384 : i32
        %dma_start3A_349 = tpu.memref_slice %arg2[%mul3A_273, %dma_start3A_348] : memref<50000x592xf32, #tpu.memory_space<hbm>> -> memref<40x128xf32, #tpu.memory_space<hbm>>
        tpu.enqueue_dma source(%dma_start3A_349 : memref<40x128xf32, #tpu.memory_space<hbm>>) target(%dma_start3A_347 : memref<40x128xf32, #tpu.memory_space<vmem>>) target_semaphore(%dma_start3A_343 : memref<!tpu.dma_semaphore, #tpu.memory_space<semaphore_mem>>)
        %dma_start3A_350 = arith.constant 0 : i32
        %dma_start3A_351 = arith.constant 0 : i32
        %dma_start3A_352 = tpu.memref_slice %arg7[%select_n3A_289, %dma_start3A_350, %dma_start3A_351] : memref<3x40x80xf32, #tpu.memory_space<vmem>> -> memref<1x40x80xf32, #tpu.memory_space<vmem>>
        %dma_start3A_353 = tpu.memref_squeeze %dma_start3A_352 : memref<1x40x80xf32, #tpu.memory_space<vmem>> -> memref<40x80xf32, #tpu.memory_space<vmem>>
        %dma_start3A_354 = arith.constant 512 : i32
        %dma_start3A_355 = tpu.memref_slice %arg2[%mul3A_273, %dma_start3A_354] : memref<50000x592xf32, #tpu.memory_space<hbm>> -> memref<40x80xf32, #tpu.memory_space<hbm>>
        %dma_start3A_356 = tpu.memref_slice %arg10[%select_n3A_289] : memref<3x!tpu.dma_semaphore, #tpu.memory_space<semaphore_mem>> -> memref<1x!tpu.dma_semaphore, #tpu.memory_space<semaphore_mem>>
        %dma_start3A_357 = tpu.memref_squeeze %dma_start3A_356 : memref<1x!tpu.dma_semaphore, #tpu.memory_space<semaphore_mem>> -> memref<!tpu.dma_semaphore, #tpu.memory_space<semaphore_mem>>
        %dma_start3A_358 = arith.constant 0 : i32
        %dma_start3A_359 = arith.constant 0 : i32
        %dma_start3A_360 = tpu.memref_slice %arg7[%select_n3A_289, %dma_start3A_358, %dma_start3A_359] : memref<3x40x80xf32, #tpu.memory_space<vmem>> -> memref<1x40x80xf32, #tpu.memory_space<vmem>>
        %dma_start3A_361 = tpu.memref_squeeze %dma_start3A_360 : memref<1x40x80xf32, #tpu.memory_space<vmem>> -> memref<40x80xf32, #tpu.memory_space<vmem>>
        %dma_start3A_362 = arith.constant 512 : i32
        %dma_start3A_363 = tpu.memref_slice %arg2[%mul3A_273, %dma_start3A_362] : memref<50000x592xf32, #tpu.memory_space<hbm>> -> memref<40x80xf32, #tpu.memory_space<hbm>>
        tpu.enqueue_dma source(%dma_start3A_363 : memref<40x80xf32, #tpu.memory_space<hbm>>) target(%dma_start3A_361 : memref<40x80xf32, #tpu.memory_space<vmem>>) target_semaphore(%dma_start3A_357 : memref<!tpu.dma_semaphore, #tpu.memory_space<semaphore_mem>>)
      } else {
      }
      %mul3A_172 = arith.constant 32 : i32
      %mul3A_173 = arith.muli %while3A_45, %mul3A_172 : i32
      %add3A_174 = arith.addi %add3A, %mul3A_173 : i32
      %mul3A_175 = arith.constant 40 : i32
      %mul3A_176 = arith.muli %add3A_174, %mul3A_175 : i32
      %jit3A_177 = arith.constant 3 : i32
      %eq3A_178 = arith.constant 0 : i32
      %eq3A_179 = arith.cmpi eq, %jit3A_177, %eq3A_178 : i32
      %jit3A_180 = arith.constant 1 : i32
      %select_n3A_181 = arith.select %eq3A_179, %jit3A_180, %jit3A_177 : i32
      %rem3A_182 = arith.remsi %while3A_45, %select_n3A_181 : i32
      %ne3A_183 = arith.constant 0 : i32
      %ne3A_184 = arith.cmpi ne, %rem3A_182, %ne3A_183 : i32
      %lt3A_185 = arith.constant 0 : i32
      %lt3A_186 = arith.cmpi slt, %rem3A_182, %lt3A_185 : i32
      %lt3A_187 = arith.constant 0 : i32
      %lt3A_188 = arith.cmpi slt, %select_n3A_181, %lt3A_187 : i32
      %ne3A_189 = arith.xori %lt3A_186, %lt3A_188 : i1
      %and3A_190 = arith.andi %ne3A_189, %ne3A_184 : i1
      %add3A_191 = arith.addi %rem3A_182, %select_n3A_181 : i32
      %select_n3A_192 = arith.select %and3A_190, %add3A_191, %rem3A_182 : i32
      %dma_start3A = arith.constant 0 : i32
      %dma_start3A_193 = arith.constant 0 : i32
      %dma_start3A_194 = arith.constant 0 : i32
      %dma_start3A_195 = tpu.memref_slice %arg6[%select_n3A_192, %dma_start3A, %dma_start3A_193, %dma_start3A_194] : memref<3x4x40x128xf32, #tpu.memory_space<vmem>> -> memref<1x1x40x128xf32, #tpu.memory_space<vmem>>
      %dma_start3A_196 = tpu.memref_squeeze %dma_start3A_195 : memref<1x1x40x128xf32, #tpu.memory_space<vmem>> -> memref<40x128xf32, #tpu.memory_space<vmem>>
      %dma_start3A_197 = arith.constant 0 : i32
      %dma_start3A_198 = tpu.memref_slice %arg5[%mul3A_176, %dma_start3A_197] : memref<50000x592xf32, #tpu.memory_space<hbm>> -> memref<40x128xf32, #tpu.memory_space<hbm>>
      %dma_start3A_199 = tpu.memref_slice %arg11[%select_n3A_192] : memref<3x!tpu.dma_semaphore, #tpu.memory_space<semaphore_mem>> -> memref<1x!tpu.dma_semaphore, #tpu.memory_space<semaphore_mem>>
      %dma_start3A_200 = tpu.memref_squeeze %dma_start3A_199 : memref<1x!tpu.dma_semaphore, #tpu.memory_space<semaphore_mem>> -> memref<!tpu.dma_semaphore, #tpu.memory_space<semaphore_mem>>
      %dma_start3A_201 = arith.constant 0 : i32
      %dma_start3A_202 = tpu.memref_slice %arg5[%mul3A_176, %dma_start3A_201] : memref<50000x592xf32, #tpu.memory_space<hbm>> -> memref<40x128xf32, #tpu.memory_space<hbm>>
      %dma_start3A_203 = arith.constant 0 : i32
      %dma_start3A_204 = arith.constant 0 : i32
      %dma_start3A_205 = tpu.memref_slice %arg6[%select_n3A_192, %dma_start3A, %dma_start3A_203, %dma_start3A_204] : memref<3x4x40x128xf32, #tpu.memory_space<vmem>> -> memref<1x1x40x128xf32, #tpu.memory_space<vmem>>
      %dma_start3A_206 = tpu.memref_squeeze %dma_start3A_205 : memref<1x1x40x128xf32, #tpu.memory_space<vmem>> -> memref<40x128xf32, #tpu.memory_space<vmem>>
      tpu.enqueue_dma source(%dma_start3A_206 : memref<40x128xf32, #tpu.memory_space<vmem>>) target(%dma_start3A_202 : memref<40x128xf32, #tpu.memory_space<hbm>>) target_semaphore(%dma_start3A_200 : memref<!tpu.dma_semaphore, #tpu.memory_space<semaphore_mem>>)
      %dma_start3A_207 = arith.constant 1 : i32
      %dma_start3A_208 = arith.constant 0 : i32
      %dma_start3A_209 = arith.constant 0 : i32
      %dma_start3A_210 = tpu.memref_slice %arg6[%select_n3A_192, %dma_start3A_207, %dma_start3A_208, %dma_start3A_209] : memref<3x4x40x128xf32, #tpu.memory_space<vmem>> -> memref<1x1x40x128xf32, #tpu.memory_space<vmem>>
      %dma_start3A_211 = tpu.memref_squeeze %dma_start3A_210 : memref<1x1x40x128xf32, #tpu.memory_space<vmem>> -> memref<40x128xf32, #tpu.memory_space<vmem>>
      %dma_start3A_212 = arith.constant 128 : i32
      %dma_start3A_213 = tpu.memref_slice %arg5[%mul3A_176, %dma_start3A_212] : memref<50000x592xf32, #tpu.memory_space<hbm>> -> memref<40x128xf32, #tpu.memory_space<hbm>>
      %dma_start3A_214 = tpu.memref_slice %arg11[%select_n3A_192] : memref<3x!tpu.dma_semaphore, #tpu.memory_space<semaphore_mem>> -> memref<1x!tpu.dma_semaphore, #tpu.memory_space<semaphore_mem>>
      %dma_start3A_215 = tpu.memref_squeeze %dma_start3A_214 : memref<1x!tpu.dma_semaphore, #tpu.memory_space<semaphore_mem>> -> memref<!tpu.dma_semaphore, #tpu.memory_space<semaphore_mem>>
      %dma_start3A_216 = arith.constant 128 : i32
      %dma_start3A_217 = tpu.memref_slice %arg5[%mul3A_176, %dma_start3A_216] : memref<50000x592xf32, #tpu.memory_space<hbm>> -> memref<40x128xf32, #tpu.memory_space<hbm>>
      %dma_start3A_218 = arith.constant 0 : i32
      %dma_start3A_219 = arith.constant 0 : i32
      %dma_start3A_220 = tpu.memref_slice %arg6[%select_n3A_192, %dma_start3A_207, %dma_start3A_218, %dma_start3A_219] : memref<3x4x40x128xf32, #tpu.memory_space<vmem>> -> memref<1x1x40x128xf32, #tpu.memory_space<vmem>>
      %dma_start3A_221 = tpu.memref_squeeze %dma_start3A_220 : memref<1x1x40x128xf32, #tpu.memory_space<vmem>> -> memref<40x128xf32, #tpu.memory_space<vmem>>
      tpu.enqueue_dma source(%dma_start3A_221 : memref<40x128xf32, #tpu.memory_space<vmem>>) target(%dma_start3A_217 : memref<40x128xf32, #tpu.memory_space<hbm>>) target_semaphore(%dma_start3A_215 : memref<!tpu.dma_semaphore, #tpu.memory_space<semaphore_mem>>)
      %dma_start3A_222 = arith.constant 2 : i32
      %dma_start3A_223 = arith.constant 0 : i32
      %dma_start3A_224 = arith.constant 0 : i32
      %dma_start3A_225 = tpu.memref_slice %arg6[%select_n3A_192, %dma_start3A_222, %dma_start3A_223, %dma_start3A_224] : memref<3x4x40x128xf32, #tpu.memory_space<vmem>> -> memref<1x1x40x128xf32, #tpu.memory_space<vmem>>
      %dma_start3A_226 = tpu.memref_squeeze %dma_start3A_225 : memref<1x1x40x128xf32, #tpu.memory_space<vmem>> -> memref<40x128xf32, #tpu.memory_space<vmem>>
      %dma_start3A_227 = arith.constant 256 : i32
      %dma_start3A_228 = tpu.memref_slice %arg5[%mul3A_176, %dma_start3A_227] : memref<50000x592xf32, #tpu.memory_space<hbm>> -> memref<40x128xf32, #tpu.memory_space<hbm>>
      %dma_start3A_229 = tpu.memref_slice %arg11[%select_n3A_192] : memref<3x!tpu.dma_semaphore, #tpu.memory_space<semaphore_mem>> -> memref<1x!tpu.dma_semaphore, #tpu.memory_space<semaphore_mem>>
      %dma_start3A_230 = tpu.memref_squeeze %dma_start3A_229 : memref<1x!tpu.dma_semaphore, #tpu.memory_space<semaphore_mem>> -> memref<!tpu.dma_semaphore, #tpu.memory_space<semaphore_mem>>
      %dma_start3A_231 = arith.constant 256 : i32
      %dma_start3A_232 = tpu.memref_slice %arg5[%mul3A_176, %dma_start3A_231] : memref<50000x592xf32, #tpu.memory_space<hbm>> -> memref<40x128xf32, #tpu.memory_space<hbm>>
      %dma_start3A_233 = arith.constant 0 : i32
      %dma_start3A_234 = arith.constant 0 : i32
      %dma_start3A_235 = tpu.memref_slice %arg6[%select_n3A_192, %dma_start3A_222, %dma_start3A_233, %dma_start3A_234] : memref<3x4x40x128xf32, #tpu.memory_space<vmem>> -> memref<1x1x40x128xf32, #tpu.memory_space<vmem>>
      %dma_start3A_236 = tpu.memref_squeeze %dma_start3A_235 : memref<1x1x40x128xf32, #tpu.memory_space<vmem>> -> memref<40x128xf32, #tpu.memory_space<vmem>>
      tpu.enqueue_dma source(%dma_start3A_236 : memref<40x128xf32, #tpu.memory_space<vmem>>) target(%dma_start3A_232 : memref<40x128xf32, #tpu.memory_space<hbm>>) target_semaphore(%dma_start3A_230 : memref<!tpu.dma_semaphore, #tpu.memory_space<semaphore_mem>>)
      %dma_start3A_237 = arith.constant 3 : i32
      %dma_start3A_238 = arith.constant 0 : i32
      %dma_start3A_239 = arith.constant 0 : i32
      %dma_start3A_240 = tpu.memref_slice %arg6[%select_n3A_192, %dma_start3A_237, %dma_start3A_238, %dma_start3A_239] : memref<3x4x40x128xf32, #tpu.memory_space<vmem>> -> memref<1x1x40x128xf32, #tpu.memory_space<vmem>>
      %dma_start3A_241 = tpu.memref_squeeze %dma_start3A_240 : memref<1x1x40x128xf32, #tpu.memory_space<vmem>> -> memref<40x128xf32, #tpu.memory_space<vmem>>
      %dma_start3A_242 = arith.constant 384 : i32
      %dma_start3A_243 = tpu.memref_slice %arg5[%mul3A_176, %dma_start3A_242] : memref<50000x592xf32, #tpu.memory_space<hbm>> -> memref<40x128xf32, #tpu.memory_space<hbm>>
      %dma_start3A_244 = tpu.memref_slice %arg11[%select_n3A_192] : memref<3x!tpu.dma_semaphore, #tpu.memory_space<semaphore_mem>> -> memref<1x!tpu.dma_semaphore, #tpu.memory_space<semaphore_mem>>
      %dma_start3A_245 = tpu.memref_squeeze %dma_start3A_244 : memref<1x!tpu.dma_semaphore, #tpu.memory_space<semaphore_mem>> -> memref<!tpu.dma_semaphore, #tpu.memory_space<semaphore_mem>>
      %dma_start3A_246 = arith.constant 384 : i32
      %dma_start3A_247 = tpu.memref_slice %arg5[%mul3A_176, %dma_start3A_246] : memref<50000x592xf32, #tpu.memory_space<hbm>> -> memref<40x128xf32, #tpu.memory_space<hbm>>
      %dma_start3A_248 = arith.constant 0 : i32
      %dma_start3A_249 = arith.constant 0 : i32
      %dma_start3A_250 = tpu.memref_slice %arg6[%select_n3A_192, %dma_start3A_237, %dma_start3A_248, %dma_start3A_249] : memref<3x4x40x128xf32, #tpu.memory_space<vmem>> -> memref<1x1x40x128xf32, #tpu.memory_space<vmem>>
      %dma_start3A_251 = tpu.memref_squeeze %dma_start3A_250 : memref<1x1x40x128xf32, #tpu.memory_space<vmem>> -> memref<40x128xf32, #tpu.memory_space<vmem>>
      tpu.enqueue_dma source(%dma_start3A_251 : memref<40x128xf32, #tpu.memory_space<vmem>>) target(%dma_start3A_247 : memref<40x128xf32, #tpu.memory_space<hbm>>) target_semaphore(%dma_start3A_245 : memref<!tpu.dma_semaphore, #tpu.memory_space<semaphore_mem>>)
      %dma_start3A_252 = arith.constant 0 : i32
      %dma_start3A_253 = arith.constant 0 : i32
      %dma_start3A_254 = tpu.memref_slice %arg7[%select_n3A_192, %dma_start3A_252, %dma_start3A_253] : memref<3x40x80xf32, #tpu.memory_space<vmem>> -> memref<1x40x80xf32, #tpu.memory_space<vmem>>
      %dma_start3A_255 = tpu.memref_squeeze %dma_start3A_254 : memref<1x40x80xf32, #tpu.memory_space<vmem>> -> memref<40x80xf32, #tpu.memory_space<vmem>>
      %dma_start3A_256 = arith.constant 512 : i32
      %dma_start3A_257 = tpu.memref_slice %arg5[%mul3A_176, %dma_start3A_256] : memref<50000x592xf32, #tpu.memory_space<hbm>> -> memref<40x80xf32, #tpu.memory_space<hbm>>
      %dma_start3A_258 = tpu.memref_slice %arg11[%select_n3A_192] : memref<3x!tpu.dma_semaphore, #tpu.memory_space<semaphore_mem>> -> memref<1x!tpu.dma_semaphore, #tpu.memory_space<semaphore_mem>>
      %dma_start3A_259 = tpu.memref_squeeze %dma_start3A_258 : memref<1x!tpu.dma_semaphore, #tpu.memory_space<semaphore_mem>> -> memref<!tpu.dma_semaphore, #tpu.memory_space<semaphore_mem>>
      %dma_start3A_260 = arith.constant 512 : i32
      %dma_start3A_261 = tpu.memref_slice %arg5[%mul3A_176, %dma_start3A_260] : memref<50000x592xf32, #tpu.memory_space<hbm>> -> memref<40x80xf32, #tpu.memory_space<hbm>>
      %dma_start3A_262 = arith.constant 0 : i32
      %dma_start3A_263 = arith.constant 0 : i32
      %dma_start3A_264 = tpu.memref_slice %arg7[%select_n3A_192, %dma_start3A_262, %dma_start3A_263] : memref<3x40x80xf32, #tpu.memory_space<vmem>> -> memref<1x40x80xf32, #tpu.memory_space<vmem>>
      %dma_start3A_265 = tpu.memref_squeeze %dma_start3A_264 : memref<1x40x80xf32, #tpu.memory_space<vmem>> -> memref<40x80xf32, #tpu.memory_space<vmem>>
      tpu.enqueue_dma source(%dma_start3A_265 : memref<40x80xf32, #tpu.memory_space<vmem>>) target(%dma_start3A_261 : memref<40x80xf32, #tpu.memory_space<hbm>>) target_semaphore(%dma_start3A_259 : memref<!tpu.dma_semaphore, #tpu.memory_space<semaphore_mem>>)
      %while3A_266 = arith.constant 0 : i32
      scf.yield %while3A_266 : i32
    }
    %while3A_39 = arith.constant 1 : i32
    %while3A_40 = scf.for %while3A_45 = %while3A_36 to %while3A_32 step %while3A_39 iter_args(%while3A_46 = %while3A_38) -> (i32)  : i32 {
      %jit3A_47 = arith.constant 3 : i32
      %eq3A = arith.constant 0 : i32
      %eq3A_48 = arith.cmpi eq, %jit3A_47, %eq3A : i32
      %jit3A_49 = arith.constant 1 : i32
      %select_n3A_50 = arith.select %eq3A_48, %jit3A_49, %jit3A_47 : i32
      %rem3A_51 = arith.remsi %while3A_45, %select_n3A_50 : i32
      %ne3A_52 = arith.constant 0 : i32
      %ne3A_53 = arith.cmpi ne, %rem3A_51, %ne3A_52 : i32
      %lt3A = arith.constant 0 : i32
      %lt3A_54 = arith.cmpi slt, %rem3A_51, %lt3A : i32
      %lt3A_55 = arith.constant 0 : i32
      %lt3A_56 = arith.cmpi slt, %select_n3A_50, %lt3A_55 : i32
      %ne3A_57 = arith.xori %lt3A_54, %lt3A_56 : i1
      %and3A_58 = arith.andi %ne3A_57, %ne3A_53 : i1
      %add3A_59 = arith.addi %rem3A_51, %select_n3A_50 : i32
      %select_n3A_60 = arith.select %and3A_58, %add3A_59, %rem3A_51 : i32
      %mul3A_61 = arith.constant 32 : i32
      %mul3A_62 = arith.muli %while3A_45, %mul3A_61 : i32
      %add3A_63 = arith.addi %add3A, %mul3A_62 : i32
      %mul3A_64 = arith.constant 40 : i32
      %mul3A_65 = arith.muli %add3A_63, %mul3A_64 : i32
      %jit3A_66 = arith.constant 3 : i32
      %eq3A_67 = arith.constant 0 : i32
      %eq3A_68 = arith.cmpi eq, %jit3A_66, %eq3A_67 : i32
      %jit3A_69 = arith.constant 1 : i32
      %select_n3A_70 = arith.select %eq3A_68, %jit3A_69, %jit3A_66 : i32
      %rem3A_71 = arith.remsi %while3A_45, %select_n3A_70 : i32
      %ne3A_72 = arith.constant 0 : i32
      %ne3A_73 = arith.cmpi ne, %rem3A_71, %ne3A_72 : i32
      %lt3A_74 = arith.constant 0 : i32
      %lt3A_75 = arith.cmpi slt, %rem3A_71, %lt3A_74 : i32
      %lt3A_76 = arith.constant 0 : i32
      %lt3A_77 = arith.cmpi slt, %select_n3A_70, %lt3A_76 : i32
      %ne3A_78 = arith.xori %lt3A_75, %lt3A_77 : i1
      %and3A_79 = arith.andi %ne3A_78, %ne3A_73 : i1
      %add3A_80 = arith.addi %rem3A_71, %select_n3A_70 : i32
      %select_n3A_81 = arith.select %and3A_79, %add3A_80, %rem3A_71 : i32
      %dma_wait3A = arith.constant 0 : i32
      %dma_wait3A_82 = arith.constant 0 : i32
      %dma_wait3A_83 = arith.constant 0 : i32
      %dma_wait3A_84 = tpu.memref_slice %arg6[%select_n3A_81, %dma_wait3A, %dma_wait3A_82, %dma_wait3A_83] : memref<3x4x40x128xf32, #tpu.memory_space<vmem>> -> memref<1x1x40x128xf32, #tpu.memory_space<vmem>>
      %dma_wait3A_85 = tpu.memref_squeeze %dma_wait3A_84 : memref<1x1x40x128xf32, #tpu.memory_space<vmem>> -> memref<40x128xf32, #tpu.memory_space<vmem>>
      %dma_wait3A_86 = arith.constant 0 : i32
      %dma_wait3A_87 = tpu.memref_slice %arg2[%mul3A_65, %dma_wait3A_86] : memref<50000x592xf32, #tpu.memory_space<hbm>> -> memref<40x128xf32, #tpu.memory_space<hbm>>
      %dma_wait3A_88 = tpu.memref_slice %arg10[%select_n3A_81] : memref<3x!tpu.dma_semaphore, #tpu.memory_space<semaphore_mem>> -> memref<1x!tpu.dma_semaphore, #tpu.memory_space<semaphore_mem>>
      %dma_wait3A_89 = tpu.memref_squeeze %dma_wait3A_88 : memref<1x!tpu.dma_semaphore, #tpu.memory_space<semaphore_mem>> -> memref<!tpu.dma_semaphore, #tpu.memory_space<semaphore_mem>>
      %dma_wait3A_90 = arith.constant 0 : i32
      %dma_wait3A_91 = arith.constant 0 : i32
      %dma_wait3A_92 = tpu.memref_slice %arg6[%select_n3A_81, %dma_wait3A, %dma_wait3A_90, %dma_wait3A_91] : memref<3x4x40x128xf32, #tpu.memory_space<vmem>> -> memref<1x1x40x128xf32, #tpu.memory_space<vmem>>
      %dma_wait3A_93 = tpu.memref_squeeze %dma_wait3A_92 : memref<1x1x40x128xf32, #tpu.memory_space<vmem>> -> memref<40x128xf32, #tpu.memory_space<vmem>>
      %dma_wait3A_94 = arith.constant 0 : i32
      %dma_wait3A_95 = tpu.memref_slice %arg2[%mul3A_65, %dma_wait3A_94] : memref<50000x592xf32, #tpu.memory_space<hbm>> -> memref<40x128xf32, #tpu.memory_space<hbm>>
      tpu.wait_dma2 semaphore(%dma_wait3A_89 : memref<!tpu.dma_semaphore, #tpu.memory_space<semaphore_mem>>) src(%dma_wait3A_95 : memref<40x128xf32, #tpu.memory_space<hbm>>) dst(%dma_wait3A_93 : memref<40x128xf32, #tpu.memory_space<vmem>>)
      %dma_wait3A_96 = arith.constant 1 : i32
      %dma_wait3A_97 = arith.constant 0 : i32
      %dma_wait3A_98 = arith.constant 0 : i32
      %dma_wait3A_99 = tpu.memref_slice %arg6[%select_n3A_81, %dma_wait3A_96, %dma_wait3A_97, %dma_wait3A_98] : memref<3x4x40x128xf32, #tpu.memory_space<vmem>> -> memref<1x1x40x128xf32, #tpu.memory_space<vmem>>
      %dma_wait3A_100 = tpu.memref_squeeze %dma_wait3A_99 : memref<1x1x40x128xf32, #tpu.memory_space<vmem>> -> memref<40x128xf32, #tpu.memory_space<vmem>>
      %dma_wait3A_101 = arith.constant 128 : i32
      %dma_wait3A_102 = tpu.memref_slice %arg2[%mul3A_65, %dma_wait3A_101] : memref<50000x592xf32, #tpu.memory_space<hbm>> -> memref<40x128xf32, #tpu.memory_space<hbm>>
      %dma_wait3A_103 = tpu.memref_slice %arg10[%select_n3A_81] : memref<3x!tpu.dma_semaphore, #tpu.memory_space<semaphore_mem>> -> memref<1x!tpu.dma_semaphore, #tpu.memory_space<semaphore_mem>>
      %dma_wait3A_104 = tpu.memref_squeeze %dma_wait3A_103 : memref<1x!tpu.dma_semaphore, #tpu.memory_space<semaphore_mem>> -> memref<!tpu.dma_semaphore, #tpu.memory_space<semaphore_mem>>
      %dma_wait3A_105 = arith.constant 0 : i32
      %dma_wait3A_106 = arith.constant 0 : i32
      %dma_wait3A_107 = tpu.memref_slice %arg6[%select_n3A_81, %dma_wait3A_96, %dma_wait3A_105, %dma_wait3A_106] : memref<3x4x40x128xf32, #tpu.memory_space<vmem>> -> memref<1x1x40x128xf32, #tpu.memory_space<vmem>>
      %dma_wait3A_108 = tpu.memref_squeeze %dma_wait3A_107 : memref<1x1x40x128xf32, #tpu.memory_space<vmem>> -> memref<40x128xf32, #tpu.memory_space<vmem>>
      %dma_wait3A_109 = arith.constant 128 : i32
      %dma_wait3A_110 = tpu.memref_slice %arg2[%mul3A_65, %dma_wait3A_109] : memref<50000x592xf32, #tpu.memory_space<hbm>> -> memref<40x128xf32, #tpu.memory_space<hbm>>
      tpu.wait_dma2 semaphore(%dma_wait3A_104 : memref<!tpu.dma_semaphore, #tpu.memory_space<semaphore_mem>>) src(%dma_wait3A_110 : memref<40x128xf32, #tpu.memory_space<hbm>>) dst(%dma_wait3A_108 : memref<40x128xf32, #tpu.memory_space<vmem>>)
      %dma_wait3A_111 = arith.constant 2 : i32
      %dma_wait3A_112 = arith.constant 0 : i32
      %dma_wait3A_113 = arith.constant 0 : i32
      %dma_wait3A_114 = tpu.memref_slice %arg6[%select_n3A_81, %dma_wait3A_111, %dma_wait3A_112, %dma_wait3A_113] : memref<3x4x40x128xf32, #tpu.memory_space<vmem>> -> memref<1x1x40x128xf32, #tpu.memory_space<vmem>>
      %dma_wait3A_115 = tpu.memref_squeeze %dma_wait3A_114 : memref<1x1x40x128xf32, #tpu.memory_space<vmem>> -> memref<40x128xf32, #tpu.memory_space<vmem>>
      %dma_wait3A_116 = arith.constant 256 : i32
      %dma_wait3A_117 = tpu.memref_slice %arg2[%mul3A_65, %dma_wait3A_116] : memref<50000x592xf32, #tpu.memory_space<hbm>> -> memref<40x128xf32, #tpu.memory_space<hbm>>
      %dma_wait3A_118 = tpu.memref_slice %arg10[%select_n3A_81] : memref<3x!tpu.dma_semaphore, #tpu.memory_space<semaphore_mem>> -> memref<1x!tpu.dma_semaphore, #tpu.memory_space<semaphore_mem>>
      %dma_wait3A_119 = tpu.memref_squeeze %dma_wait3A_118 : memref<1x!tpu.dma_semaphore, #tpu.memory_space<semaphore_mem>> -> memref<!tpu.dma_semaphore, #tpu.memory_space<semaphore_mem>>
      %dma_wait3A_120 = arith.constant 0 : i32
      %dma_wait3A_121 = arith.constant 0 : i32
      %dma_wait3A_122 = tpu.memref_slice %arg6[%select_n3A_81, %dma_wait3A_111, %dma_wait3A_120, %dma_wait3A_121] : memref<3x4x40x128xf32, #tpu.memory_space<vmem>> -> memref<1x1x40x128xf32, #tpu.memory_space<vmem>>
      %dma_wait3A_123 = tpu.memref_squeeze %dma_wait3A_122 : memref<1x1x40x128xf32, #tpu.memory_space<vmem>> -> memref<40x128xf32, #tpu.memory_space<vmem>>
      %dma_wait3A_124 = arith.constant 256 : i32
      %dma_wait3A_125 = tpu.memref_slice %arg2[%mul3A_65, %dma_wait3A_124] : memref<50000x592xf32, #tpu.memory_space<hbm>> -> memref<40x128xf32, #tpu.memory_space<hbm>>
      tpu.wait_dma2 semaphore(%dma_wait3A_119 : memref<!tpu.dma_semaphore, #tpu.memory_space<semaphore_mem>>) src(%dma_wait3A_125 : memref<40x128xf32, #tpu.memory_space<hbm>>) dst(%dma_wait3A_123 : memref<40x128xf32, #tpu.memory_space<vmem>>)
      %dma_wait3A_126 = arith.constant 3 : i32
      %dma_wait3A_127 = arith.constant 0 : i32
      %dma_wait3A_128 = arith.constant 0 : i32
      %dma_wait3A_129 = tpu.memref_slice %arg6[%select_n3A_81, %dma_wait3A_126, %dma_wait3A_127, %dma_wait3A_128] : memref<3x4x40x128xf32, #tpu.memory_space<vmem>> -> memref<1x1x40x128xf32, #tpu.memory_space<vmem>>
      %dma_wait3A_130 = tpu.memref_squeeze %dma_wait3A_129 : memref<1x1x40x128xf32, #tpu.memory_space<vmem>> -> memref<40x128xf32, #tpu.memory_space<vmem>>
      %dma_wait3A_131 = arith.constant 384 : i32
      %dma_wait3A_132 = tpu.memref_slice %arg2[%mul3A_65, %dma_wait3A_131] : memref<50000x592xf32, #tpu.memory_space<hbm>> -> memref<40x128xf32, #tpu.memory_space<hbm>>
      %dma_wait3A_133 = tpu.memref_slice %arg10[%select_n3A_81] : memref<3x!tpu.dma_semaphore, #tpu.memory_space<semaphore_mem>> -> memref<1x!tpu.dma_semaphore, #tpu.memory_space<semaphore_mem>>
      %dma_wait3A_134 = tpu.memref_squeeze %dma_wait3A_133 : memref<1x!tpu.dma_semaphore, #tpu.memory_space<semaphore_mem>> -> memref<!tpu.dma_semaphore, #tpu.memory_space<semaphore_mem>>
      %dma_wait3A_135 = arith.constant 0 : i32
      %dma_wait3A_136 = arith.constant 0 : i32
      %dma_wait3A_137 = tpu.memref_slice %arg6[%select_n3A_81, %dma_wait3A_126, %dma_wait3A_135, %dma_wait3A_136] : memref<3x4x40x128xf32, #tpu.memory_space<vmem>> -> memref<1x1x40x128xf32, #tpu.memory_space<vmem>>
      %dma_wait3A_138 = tpu.memref_squeeze %dma_wait3A_137 : memref<1x1x40x128xf32, #tpu.memory_space<vmem>> -> memref<40x128xf32, #tpu.memory_space<vmem>>
      %dma_wait3A_139 = arith.constant 384 : i32
      %dma_wait3A_140 = tpu.memref_slice %arg2[%mul3A_65, %dma_wait3A_139] : memref<50000x592xf32, #tpu.memory_space<hbm>> -> memref<40x128xf32, #tpu.memory_space<hbm>>
      tpu.wait_dma2 semaphore(%dma_wait3A_134 : memref<!tpu.dma_semaphore, #tpu.memory_space<semaphore_mem>>) src(%dma_wait3A_140 : memref<40x128xf32, #tpu.memory_space<hbm>>) dst(%dma_wait3A_138 : memref<40x128xf32, #tpu.memory_space<vmem>>)
      %dma_wait3A_141 = arith.constant 0 : i32
      %dma_wait3A_142 = arith.constant 0 : i32
      %dma_wait3A_143 = tpu.memref_slice %arg7[%select_n3A_81, %dma_wait3A_141, %dma_wait3A_142] : memref<3x40x80xf32, #tpu.memory_space<vmem>> -> memref<1x40x80xf32, #tpu.memory_space<vmem>>
      %dma_wait3A_144 = tpu.memref_squeeze %dma_wait3A_143 : memref<1x40x80xf32, #tpu.memory_space<vmem>> -> memref<40x80xf32, #tpu.memory_space<vmem>>
      %dma_wait3A_145 = arith.constant 512 : i32
      %dma_wait3A_146 = tpu.memref_slice %arg2[%mul3A_65, %dma_wait3A_145] : memref<50000x592xf32, #tpu.memory_space<hbm>> -> memref<40x80xf32, #tpu.memory_space<hbm>>
      %dma_wait3A_147 = tpu.memref_slice %arg10[%select_n3A_81] : memref<3x!tpu.dma_semaphore, #tpu.memory_space<semaphore_mem>> -> memref<1x!tpu.dma_semaphore, #tpu.memory_space<semaphore_mem>>
      %dma_wait3A_148 = tpu.memref_squeeze %dma_wait3A_147 : memref<1x!tpu.dma_semaphore, #tpu.memory_space<semaphore_mem>> -> memref<!tpu.dma_semaphore, #tpu.memory_space<semaphore_mem>>
      %dma_wait3A_149 = arith.constant 0 : i32
      %dma_wait3A_150 = arith.constant 0 : i32
      %dma_wait3A_151 = tpu.memref_slice %arg7[%select_n3A_81, %dma_wait3A_149, %dma_wait3A_150] : memref<3x40x80xf32, #tpu.memory_space<vmem>> -> memref<1x40x80xf32, #tpu.memory_space<vmem>>
      %dma_wait3A_152 = tpu.memref_squeeze %dma_wait3A_151 : memref<1x40x80xf32, #tpu.memory_space<vmem>> -> memref<40x80xf32, #tpu.memory_space<vmem>>
      %dma_wait3A_153 = arith.constant 512 : i32
      %dma_wait3A_154 = tpu.memref_slice %arg2[%mul3A_65, %dma_wait3A_153] : memref<50000x592xf32, #tpu.memory_space<hbm>> -> memref<40x80xf32, #tpu.memory_space<hbm>>
      tpu.wait_dma2 semaphore(%dma_wait3A_148 : memref<!tpu.dma_semaphore, #tpu.memory_space<semaphore_mem>>) src(%dma_wait3A_154 : memref<40x80xf32, #tpu.memory_space<hbm>>) dst(%dma_wait3A_152 : memref<40x80xf32, #tpu.memory_space<vmem>>)
      %broadcast_in_dim3A = vector.broadcast %select_n3A_60 : i32 to vector<16xi32>
      %scan3A = arith.constant 0 : i32
      %scan3A_155 = arith.constant 0 : i32
      %scan3A_156 = arith.constant 40 : i32
      %scan3A_157 = arith.addi %scan3A_155, %scan3A_156 : i32
      %scan3A_158 = arith.constant 1 : i32
      %scan3A_159 = scf.for %scan3A_267 = %scan3A_155 to %scan3A_157 step %scan3A_158 iter_args(%scan3A_268 = %scan3A) -> (i32)  : i32 {
        %broadcast_in_dim3A_269 = vector.broadcast %scan3A_267 : i32 to vector<16xi32>
        %get3A = arith.constant 0 : index
        %get3A_270 = tpu.vector_load %arg8[%get3A] {strides = array<i32>} : memref<192xi32, #tpu.memory_space<vmem>>, vector<16xi32>,
        %get3A_271 = arith.constant 0 : index
        %get3A_272 = tpu.vector_load %arg9[%get3A_271] {strides = array<i32>} : memref<192xi32, #tpu.memory_space<vmem>>, vector<16xi32>,
        %gather3A = tpu.vector_load_idx %arg6[%broadcast_in_dim3A, %get3A_270, %broadcast_in_dim3A_269, %get3A_272] : memref<3x4x40x128xf32, #tpu.memory_space<vmem>>[vector<16xi32>, vector<16xi32>, vector<16xi32>, vector<16xi32>], vector<16xf32>,
        %get3A_273 = arith.constant 16 : index
        %get3A_274 = tpu.vector_load %arg8[%get3A_273] {strides = array<i32>} : memref<192xi32, #tpu.memory_space<vmem>>, vector<16xi32>,
        %get3A_275 = arith.constant 16 : index
        %get3A_276 = tpu.vector_load %arg9[%get3A_275] {strides = array<i32>} : memref<192xi32, #tpu.memory_space<vmem>>, vector<16xi32>,
        %gather3A_277 = tpu.vector_load_idx %arg6[%broadcast_in_dim3A, %get3A_274, %broadcast_in_dim3A_269, %get3A_276] : memref<3x4x40x128xf32, #tpu.memory_space<vmem>>[vector<16xi32>, vector<16xi32>, vector<16xi32>, vector<16xi32>], vector<16xf32>,
        %get3A_278 = arith.constant 32 : index
        %get3A_279 = tpu.vector_load %arg8[%get3A_278] {strides = array<i32>} : memref<192xi32, #tpu.memory_space<vmem>>, vector<16xi32>,
        %get3A_280 = arith.constant 32 : index
        %get3A_281 = tpu.vector_load %arg9[%get3A_280] {strides = array<i32>} : memref<192xi32, #tpu.memory_space<vmem>>, vector<16xi32>,
        %gather3A_282 = tpu.vector_load_idx %arg6[%broadcast_in_dim3A, %get3A_279, %broadcast_in_dim3A_269, %get3A_281] : memref<3x4x40x128xf32, #tpu.memory_space<vmem>>[vector<16xi32>, vector<16xi32>, vector<16xi32>, vector<16xi32>], vector<16xf32>,
        %get3A_283 = arith.constant 48 : index
        %get3A_284 = tpu.vector_load %arg8[%get3A_283] {strides = array<i32>} : memref<192xi32, #tpu.memory_space<vmem>>, vector<16xi32>,
        %get3A_285 = arith.constant 48 : index
        %get3A_286 = tpu.vector_load %arg9[%get3A_285] {strides = array<i32>} : memref<192xi32, #tpu.memory_space<vmem>>, vector<16xi32>,
        %gather3A_287 = tpu.vector_load_idx %arg6[%broadcast_in_dim3A, %get3A_284, %broadcast_in_dim3A_269, %get3A_286] : memref<3x4x40x128xf32, #tpu.memory_space<vmem>>[vector<16xi32>, vector<16xi32>, vector<16xi32>, vector<16xi32>], vector<16xf32>,
        %get3A_288 = arith.constant 64 : index
        %get3A_289 = tpu.vector_load %arg8[%get3A_288] {strides = array<i32>} : memref<192xi32, #tpu.memory_space<vmem>>, vector<16xi32>,
        %get3A_290 = arith.constant 64 : index
        %get3A_291 = tpu.vector_load %arg9[%get3A_290] {strides = array<i32>} : memref<192xi32, #tpu.memory_space<vmem>>, vector<16xi32>,
        %gather3A_292 = tpu.vector_load_idx %arg6[%broadcast_in_dim3A, %get3A_289, %broadcast_in_dim3A_269, %get3A_291] : memref<3x4x40x128xf32, #tpu.memory_space<vmem>>[vector<16xi32>, vector<16xi32>, vector<16xi32>, vector<16xi32>], vector<16xf32>,
        %get3A_293 = arith.constant 80 : index
        %get3A_294 = tpu.vector_load %arg8[%get3A_293] {strides = array<i32>} : memref<192xi32, #tpu.memory_space<vmem>>, vector<16xi32>,
        %get3A_295 = arith.constant 80 : index
        %get3A_296 = tpu.vector_load %arg9[%get3A_295] {strides = array<i32>} : memref<192xi32, #tpu.memory_space<vmem>>, vector<16xi32>,
        %gather3A_297 = tpu.vector_load_idx %arg6[%broadcast_in_dim3A, %get3A_294, %broadcast_in_dim3A_269, %get3A_296] : memref<3x4x40x128xf32, #tpu.memory_space<vmem>>[vector<16xi32>, vector<16xi32>, vector<16xi32>, vector<16xi32>], vector<16xf32>,
        %get3A_298 = arith.constant 96 : index
        %get3A_299 = tpu.vector_load %arg8[%get3A_298] {strides = array<i32>} : memref<192xi32, #tpu.memory_space<vmem>>, vector<16xi32>,
        %get3A_300 = arith.constant 96 : index
        %get3A_301 = tpu.vector_load %arg9[%get3A_300] {strides = array<i32>} : memref<192xi32, #tpu.memory_space<vmem>>, vector<16xi32>,
        %gather3A_302 = tpu.vector_load_idx %arg6[%broadcast_in_dim3A, %get3A_299, %broadcast_in_dim3A_269, %get3A_301] : memref<3x4x40x128xf32, #tpu.memory_space<vmem>>[vector<16xi32>, vector<16xi32>, vector<16xi32>, vector<16xi32>], vector<16xf32>,
        %get3A_303 = arith.constant 112 : index
        %get3A_304 = tpu.vector_load %arg8[%get3A_303] {strides = array<i32>} : memref<192xi32, #tpu.memory_space<vmem>>, vector<16xi32>,
        %get3A_305 = arith.constant 112 : index
        %get3A_306 = tpu.vector_load %arg9[%get3A_305] {strides = array<i32>} : memref<192xi32, #tpu.memory_space<vmem>>, vector<16xi32>,
        %gather3A_307 = tpu.vector_load_idx %arg6[%broadcast_in_dim3A, %get3A_304, %broadcast_in_dim3A_269, %get3A_306] : memref<3x4x40x128xf32, #tpu.memory_space<vmem>>[vector<16xi32>, vector<16xi32>, vector<16xi32>, vector<16xi32>], vector<16xf32>,
        %get3A_308 = arith.constant 128 : index
        %get3A_309 = tpu.vector_load %arg8[%get3A_308] {strides = array<i32>} : memref<192xi32, #tpu.memory_space<vmem>>, vector<16xi32>,
        %get3A_310 = arith.constant 128 : index
        %get3A_311 = tpu.vector_load %arg9[%get3A_310] {strides = array<i32>} : memref<192xi32, #tpu.memory_space<vmem>>, vector<16xi32>,
        %gather3A_312 = tpu.vector_load_idx %arg6[%broadcast_in_dim3A, %get3A_309, %broadcast_in_dim3A_269, %get3A_311] : memref<3x4x40x128xf32, #tpu.memory_space<vmem>>[vector<16xi32>, vector<16xi32>, vector<16xi32>, vector<16xi32>], vector<16xf32>,
        %get3A_313 = arith.constant 144 : index
        %get3A_314 = tpu.vector_load %arg8[%get3A_313] {strides = array<i32>} : memref<192xi32, #tpu.memory_space<vmem>>, vector<16xi32>,
        %get3A_315 = arith.constant 144 : index
        %get3A_316 = tpu.vector_load %arg9[%get3A_315] {strides = array<i32>} : memref<192xi32, #tpu.memory_space<vmem>>, vector<16xi32>,
        %gather3A_317 = tpu.vector_load_idx %arg6[%broadcast_in_dim3A, %get3A_314, %broadcast_in_dim3A_269, %get3A_316] : memref<3x4x40x128xf32, #tpu.memory_space<vmem>>[vector<16xi32>, vector<16xi32>, vector<16xi32>, vector<16xi32>], vector<16xf32>,
        %get3A_318 = arith.constant 160 : index
        %get3A_319 = tpu.vector_load %arg8[%get3A_318] {strides = array<i32>} : memref<192xi32, #tpu.memory_space<vmem>>, vector<16xi32>,
        %get3A_320 = arith.constant 160 : index
        %get3A_321 = tpu.vector_load %arg9[%get3A_320] {strides = array<i32>} : memref<192xi32, #tpu.memory_space<vmem>>, vector<16xi32>,
        %gather3A_322 = tpu.vector_load_idx %arg6[%broadcast_in_dim3A, %get3A_319, %broadcast_in_dim3A_269, %get3A_321] : memref<3x4x40x128xf32, #tpu.memory_space<vmem>>[vector<16xi32>, vector<16xi32>, vector<16xi32>, vector<16xi32>], vector<16xf32>,
        %get3A_323 = arith.constant 176 : index
        %get3A_324 = tpu.vector_load %arg8[%get3A_323] {strides = array<i32>} : memref<192xi32, #tpu.memory_space<vmem>>, vector<16xi32>,
        %get3A_325 = arith.constant 176 : index
        %get3A_326 = tpu.vector_load %arg9[%get3A_325] {strides = array<i32>} : memref<192xi32, #tpu.memory_space<vmem>>, vector<16xi32>,
        %gather3A_327 = tpu.vector_load_idx %arg6[%broadcast_in_dim3A, %get3A_324, %broadcast_in_dim3A_269, %get3A_326] : memref<3x4x40x128xf32, #tpu.memory_space<vmem>>[vector<16xi32>, vector<16xi32>, vector<16xi32>, vector<16xi32>], vector<16xf32>,
        %swap3A = arith.constant 1 : i32
        %swap3A_328 = arith.index_cast %select_n3A_60 : i32 to index
        %swap3A_329 = arith.index_cast %swap3A : i32 to index
        %swap3A_330 = arith.index_cast %scan3A_267 : i32 to index
        %swap3A_331 = arith.constant 0 : index
        %swap3A_332 = tpu.vector_load %arg6[%swap3A_328, %swap3A_329, %swap3A_330, %swap3A_331] {strides = array<i32>} : memref<3x4x40x128xf32, #tpu.memory_space<vmem>>, vector<16xf32>,
        tpu.vector_store %arg6[%swap3A_328, %swap3A_329, %swap3A_330, %swap3A_331], %gather3A {strides = array<i32>} : memref<3x4x40x128xf32, #tpu.memory_space<vmem>>, vector<16xf32>,
        %swap3A_333 = arith.constant 1 : i32
        %swap3A_334 = arith.index_cast %select_n3A_60 : i32 to index
        %swap3A_335 = arith.index_cast %swap3A_333 : i32 to index
        %swap3A_336 = arith.index_cast %scan3A_267 : i32 to index
        %swap3A_337 = arith.constant 16 : index
        %swap3A_338 = tpu.vector_load %arg6[%swap3A_334, %swap3A_335, %swap3A_336, %swap3A_337] {strides = array<i32>} : memref<3x4x40x128xf32, #tpu.memory_space<vmem>>, vector<16xf32>,
        tpu.vector_store %arg6[%swap3A_334, %swap3A_335, %swap3A_336, %swap3A_337], %gather3A_277 {strides = array<i32>} : memref<3x4x40x128xf32, #tpu.memory_space<vmem>>, vector<16xf32>,
        %swap3A_339 = arith.constant 1 : i32
        %swap3A_340 = arith.index_cast %select_n3A_60 : i32 to index
        %swap3A_341 = arith.index_cast %swap3A_339 : i32 to index
        %swap3A_342 = arith.index_cast %scan3A_267 : i32 to index
        %swap3A_343 = arith.constant 32 : index
        %swap3A_344 = tpu.vector_load %arg6[%swap3A_340, %swap3A_341, %swap3A_342, %swap3A_343] {strides = array<i32>} : memref<3x4x40x128xf32, #tpu.memory_space<vmem>>, vector<16xf32>,
        tpu.vector_store %arg6[%swap3A_340, %swap3A_341, %swap3A_342, %swap3A_343], %gather3A_282 {strides = array<i32>} : memref<3x4x40x128xf32, #tpu.memory_space<vmem>>, vector<16xf32>,
        %swap3A_345 = arith.constant 1 : i32
        %swap3A_346 = arith.index_cast %select_n3A_60 : i32 to index
        %swap3A_347 = arith.index_cast %swap3A_345 : i32 to index
        %swap3A_348 = arith.index_cast %scan3A_267 : i32 to index
        %swap3A_349 = arith.constant 48 : index
        %swap3A_350 = tpu.vector_load %arg6[%swap3A_346, %swap3A_347, %swap3A_348, %swap3A_349] {strides = array<i32>} : memref<3x4x40x128xf32, #tpu.memory_space<vmem>>, vector<16xf32>,
        tpu.vector_store %arg6[%swap3A_346, %swap3A_347, %swap3A_348, %swap3A_349], %gather3A_287 {strides = array<i32>} : memref<3x4x40x128xf32, #tpu.memory_space<vmem>>, vector<16xf32>,
        %swap3A_351 = arith.constant 1 : i32
        %swap3A_352 = arith.index_cast %select_n3A_60 : i32 to index
        %swap3A_353 = arith.index_cast %swap3A_351 : i32 to index
        %swap3A_354 = arith.index_cast %scan3A_267 : i32 to index
        %swap3A_355 = arith.constant 64 : index
        %swap3A_356 = tpu.vector_load %arg6[%swap3A_352, %swap3A_353, %swap3A_354, %swap3A_355] {strides = array<i32>} : memref<3x4x40x128xf32, #tpu.memory_space<vmem>>, vector<16xf32>,
        tpu.vector_store %arg6[%swap3A_352, %swap3A_353, %swap3A_354, %swap3A_355], %gather3A_292 {strides = array<i32>} : memref<3x4x40x128xf32, #tpu.memory_space<vmem>>, vector<16xf32>,
        %swap3A_357 = arith.constant 1 : i32
        %swap3A_358 = arith.index_cast %select_n3A_60 : i32 to index
        %swap3A_359 = arith.index_cast %swap3A_357 : i32 to index
        %swap3A_360 = arith.index_cast %scan3A_267 : i32 to index
        %swap3A_361 = arith.constant 80 : index
        %swap3A_362 = tpu.vector_load %arg6[%swap3A_358, %swap3A_359, %swap3A_360, %swap3A_361] {strides = array<i32>} : memref<3x4x40x128xf32, #tpu.memory_space<vmem>>, vector<16xf32>,
        tpu.vector_store %arg6[%swap3A_358, %swap3A_359, %swap3A_360, %swap3A_361], %gather3A_297 {strides = array<i32>} : memref<3x4x40x128xf32, #tpu.memory_space<vmem>>, vector<16xf32>,
        %swap3A_363 = arith.constant 1 : i32
        %swap3A_364 = arith.index_cast %select_n3A_60 : i32 to index
        %swap3A_365 = arith.index_cast %swap3A_363 : i32 to index
        %swap3A_366 = arith.index_cast %scan3A_267 : i32 to index
        %swap3A_367 = arith.constant 96 : index
        %swap3A_368 = tpu.vector_load %arg6[%swap3A_364, %swap3A_365, %swap3A_366, %swap3A_367] {strides = array<i32>} : memref<3x4x40x128xf32, #tpu.memory_space<vmem>>, vector<16xf32>,
        tpu.vector_store %arg6[%swap3A_364, %swap3A_365, %swap3A_366, %swap3A_367], %gather3A_302 {strides = array<i32>} : memref<3x4x40x128xf32, #tpu.memory_space<vmem>>, vector<16xf32>,
        %swap3A_369 = arith.constant 1 : i32
        %swap3A_370 = arith.index_cast %select_n3A_60 : i32 to index
        %swap3A_371 = arith.index_cast %swap3A_369 : i32 to index
        %swap3A_372 = arith.index_cast %scan3A_267 : i32 to index
        %swap3A_373 = arith.constant 112 : index
        %swap3A_374 = tpu.vector_load %arg6[%swap3A_370, %swap3A_371, %swap3A_372, %swap3A_373] {strides = array<i32>} : memref<3x4x40x128xf32, #tpu.memory_space<vmem>>, vector<16xf32>,
        tpu.vector_store %arg6[%swap3A_370, %swap3A_371, %swap3A_372, %swap3A_373], %gather3A_307 {strides = array<i32>} : memref<3x4x40x128xf32, #tpu.memory_space<vmem>>, vector<16xf32>,
        %swap3A_375 = arith.constant 2 : i32
        %swap3A_376 = arith.index_cast %select_n3A_60 : i32 to index
        %swap3A_377 = arith.index_cast %swap3A_375 : i32 to index
        %swap3A_378 = arith.index_cast %scan3A_267 : i32 to index
        %swap3A_379 = arith.constant 0 : index
        %swap3A_380 = tpu.vector_load %arg6[%swap3A_376, %swap3A_377, %swap3A_378, %swap3A_379] {strides = array<i32>} : memref<3x4x40x128xf32, #tpu.memory_space<vmem>>, vector<16xf32>,
        tpu.vector_store %arg6[%swap3A_376, %swap3A_377, %swap3A_378, %swap3A_379], %gather3A_312 {strides = array<i32>} : memref<3x4x40x128xf32, #tpu.memory_space<vmem>>, vector<16xf32>,
        %swap3A_381 = arith.constant 2 : i32
        %swap3A_382 = arith.index_cast %select_n3A_60 : i32 to index
        %swap3A_383 = arith.index_cast %swap3A_381 : i32 to index
        %swap3A_384 = arith.index_cast %scan3A_267 : i32 to index
        %swap3A_385 = arith.constant 16 : index
        %swap3A_386 = tpu.vector_load %arg6[%swap3A_382, %swap3A_383, %swap3A_384, %swap3A_385] {strides = array<i32>} : memref<3x4x40x128xf32, #tpu.memory_space<vmem>>, vector<16xf32>,
        tpu.vector_store %arg6[%swap3A_382, %swap3A_383, %swap3A_384, %swap3A_385], %gather3A_317 {strides = array<i32>} : memref<3x4x40x128xf32, #tpu.memory_space<vmem>>, vector<16xf32>,
        %swap3A_387 = arith.constant 2 : i32
        %swap3A_388 = arith.index_cast %select_n3A_60 : i32 to index
        %swap3A_389 = arith.index_cast %swap3A_387 : i32 to index
        %swap3A_390 = arith.index_cast %scan3A_267 : i32 to index
        %swap3A_391 = arith.constant 32 : index
        %swap3A_392 = tpu.vector_load %arg6[%swap3A_388, %swap3A_389, %swap3A_390, %swap3A_391] {strides = array<i32>} : memref<3x4x40x128xf32, #tpu.memory_space<vmem>>, vector<16xf32>,
        tpu.vector_store %arg6[%swap3A_388, %swap3A_389, %swap3A_390, %swap3A_391], %gather3A_322 {strides = array<i32>} : memref<3x4x40x128xf32, #tpu.memory_space<vmem>>, vector<16xf32>,
        %swap3A_393 = arith.constant 2 : i32
        %swap3A_394 = arith.index_cast %select_n3A_60 : i32 to index
        %swap3A_395 = arith.index_cast %swap3A_393 : i32 to index
        %swap3A_396 = arith.index_cast %scan3A_267 : i32 to index
        %swap3A_397 = arith.constant 48 : index
        %swap3A_398 = tpu.vector_load %arg6[%swap3A_394, %swap3A_395, %swap3A_396, %swap3A_397] {strides = array<i32>} : memref<3x4x40x128xf32, #tpu.memory_space<vmem>>, vector<16xf32>,
        tpu.vector_store %arg6[%swap3A_394, %swap3A_395, %swap3A_396, %swap3A_397], %gather3A_327 {strides = array<i32>} : memref<3x4x40x128xf32, #tpu.memory_space<vmem>>, vector<16xf32>,
        %scan3A_399 = arith.constant 0 : i32
        scf.yield %scan3A_399 : i32
      }
      %scan3A_160 = arith.constant 40 : i32
      %ge3A_161 = arith.constant 1 : i32
      %ge3A_162 = arith.cmpi sge, %while3A_45, %ge3A_161 : i32
      %convert_element_type3A_163 = arith.extui %ge3A_162 : i1 to i32
      %cond3A_164 = arith.constant 0 : i32
      %cond3A_165 = arith.cmpi ne, %convert_element_type3A_163, %cond3A_164 : i32
      scf.if %cond3A_165 {
        %sub3A_267 = arith.constant 1 : i32
        %sub3A_268 = arith.subi %while3A_45, %sub3A_267 : i32
        %mul3A_269 = arith.constant 32 : i32
        %mul3A_270 = arith.muli %sub3A_268, %mul3A_269 : i32
        %add3A_271 = arith.addi %add3A, %mul3A_270 : i32
        %mul3A_272 = arith.constant 40 : i32
        %mul3A_273 = arith.muli %add3A_271, %mul3A_272 : i32
        %jit3A_274 = arith.constant 3 : i32
        %eq3A_275 = arith.constant 0 : i32
        %eq3A_276 = arith.cmpi eq, %jit3A_274, %eq3A_275 : i32
        %jit3A_277 = arith.constant 1 : i32
        %select_n3A_278 = arith.select %eq3A_276, %jit3A_277, %jit3A_274 : i32
        %rem3A_279 = arith.remsi %sub3A_268, %select_n3A_278 : i32
        %ne3A_280 = arith.constant 0 : i32
        %ne3A_281 = arith.cmpi ne, %rem3A_279, %ne3A_280 : i32
        %lt3A_282 = arith.constant 0 : i32
        %lt3A_283 = arith.cmpi slt, %rem3A_279, %lt3A_282 : i32
        %lt3A_284 = arith.constant 0 : i32
        %lt3A_285 = arith.cmpi slt, %select_n3A_278, %lt3A_284 : i32
        %ne3A_286 = arith.xori %lt3A_283, %lt3A_285 : i1
        %and3A_287 = arith.andi %ne3A_286, %ne3A_281 : i1
        %add3A_288 = arith.addi %rem3A_279, %select_n3A_278 : i32
        %select_n3A_289 = arith.select %and3A_287, %add3A_288, %rem3A_279 : i32
        %dma_wait3A_290 = arith.constant 0 : i32
        %dma_wait3A_291 = arith.constant 0 : i32
        %dma_wait3A_292 = arith.constant 0 : i32
        %dma_wait3A_293 = tpu.memref_slice %arg6[%select_n3A_289, %dma_wait3A_290, %dma_wait3A_291, %dma_wait3A_292] : memref<3x4x40x128xf32, #tpu.memory_space<vmem>> -> memref<1x1x40x128xf32, #tpu.memory_space<vmem>>
        %dma_wait3A_294 = tpu.memref_squeeze %dma_wait3A_293 : memref<1x1x40x128xf32, #tpu.memory_space<vmem>> -> memref<40x128xf32, #tpu.memory_space<vmem>>
        %dma_wait3A_295 = arith.constant 0 : i32
        %dma_wait3A_296 = tpu.memref_slice %arg5[%mul3A_273, %dma_wait3A_295] : memref<50000x592xf32, #tpu.memory_space<hbm>> -> memref<40x128xf32, #tpu.memory_space<hbm>>
        %dma_wait3A_297 = tpu.memref_slice %arg11[%select_n3A_289] : memref<3x!tpu.dma_semaphore, #tpu.memory_space<semaphore_mem>> -> memref<1x!tpu.dma_semaphore, #tpu.memory_space<semaphore_mem>>
        %dma_wait3A_298 = tpu.memref_squeeze %dma_wait3A_297 : memref<1x!tpu.dma_semaphore, #tpu.memory_space<semaphore_mem>> -> memref<!tpu.dma_semaphore, #tpu.memory_space<semaphore_mem>>
        %dma_wait3A_299 = arith.constant 0 : i32
        %dma_wait3A_300 = tpu.memref_slice %arg5[%mul3A_273, %dma_wait3A_299] : memref<50000x592xf32, #tpu.memory_space<hbm>> -> memref<40x128xf32, #tpu.memory_space<hbm>>
        %dma_wait3A_301 = arith.constant 0 : i32
        %dma_wait3A_302 = arith.constant 0 : i32
        %dma_wait3A_303 = tpu.memref_slice %arg6[%select_n3A_289, %dma_wait3A_290, %dma_wait3A_301, %dma_wait3A_302] : memref<3x4x40x128xf32, #tpu.memory_space<vmem>> -> memref<1x1x40x128xf32, #tpu.memory_space<vmem>>
        %dma_wait3A_304 = tpu.memref_squeeze %dma_wait3A_303 : memref<1x1x40x128xf32, #tpu.memory_space<vmem>> -> memref<40x128xf32, #tpu.memory_space<vmem>>
        tpu.wait_dma2 semaphore(%dma_wait3A_298 : memref<!tpu.dma_semaphore, #tpu.memory_space<semaphore_mem>>) src(%dma_wait3A_304 : memref<40x128xf32, #tpu.memory_space<vmem>>) dst(%dma_wait3A_300 : memref<40x128xf32, #tpu.memory_space<hbm>>)
        %dma_wait3A_305 = arith.constant 1 : i32
        %dma_wait3A_306 = arith.constant 0 : i32
        %dma_wait3A_307 = arith.constant 0 : i32
        %dma_wait3A_308 = tpu.memref_slice %arg6[%select_n3A_289, %dma_wait3A_305, %dma_wait3A_306, %dma_wait3A_307] : memref<3x4x40x128xf32, #tpu.memory_space<vmem>> -> memref<1x1x40x128xf32, #tpu.memory_space<vmem>>
        %dma_wait3A_309 = tpu.memref_squeeze %dma_wait3A_308 : memref<1x1x40x128xf32, #tpu.memory_space<vmem>> -> memref<40x128xf32, #tpu.memory_space<vmem>>
        %dma_wait3A_310 = arith.constant 128 : i32
        %dma_wait3A_311 = tpu.memref_slice %arg5[%mul3A_273, %dma_wait3A_310] : memref<50000x592xf32, #tpu.memory_space<hbm>> -> memref<40x128xf32, #tpu.memory_space<hbm>>
        %dma_wait3A_312 = tpu.memref_slice %arg11[%select_n3A_289] : memref<3x!tpu.dma_semaphore, #tpu.memory_space<semaphore_mem>> -> memref<1x!tpu.dma_semaphore, #tpu.memory_space<semaphore_mem>>
        %dma_wait3A_313 = tpu.memref_squeeze %dma_wait3A_312 : memref<1x!tpu.dma_semaphore, #tpu.memory_space<semaphore_mem>> -> memref<!tpu.dma_semaphore, #tpu.memory_space<semaphore_mem>>
        %dma_wait3A_314 = arith.constant 128 : i32
        %dma_wait3A_315 = tpu.memref_slice %arg5[%mul3A_273, %dma_wait3A_314] : memref<50000x592xf32, #tpu.memory_space<hbm>> -> memref<40x128xf32, #tpu.memory_space<hbm>>
        %dma_wait3A_316 = arith.constant 0 : i32
        %dma_wait3A_317 = arith.constant 0 : i32
        %dma_wait3A_318 = tpu.memref_slice %arg6[%select_n3A_289, %dma_wait3A_305, %dma_wait3A_316, %dma_wait3A_317] : memref<3x4x40x128xf32, #tpu.memory_space<vmem>> -> memref<1x1x40x128xf32, #tpu.memory_space<vmem>>
        %dma_wait3A_319 = tpu.memref_squeeze %dma_wait3A_318 : memref<1x1x40x128xf32, #tpu.memory_space<vmem>> -> memref<40x128xf32, #tpu.memory_space<vmem>>
        tpu.wait_dma2 semaphore(%dma_wait3A_313 : memref<!tpu.dma_semaphore, #tpu.memory_space<semaphore_mem>>) src(%dma_wait3A_319 : memref<40x128xf32, #tpu.memory_space<vmem>>) dst(%dma_wait3A_315 : memref<40x128xf32, #tpu.memory_space<hbm>>)
        %dma_wait3A_320 = arith.constant 2 : i32
        %dma_wait3A_321 = arith.constant 0 : i32
        %dma_wait3A_322 = arith.constant 0 : i32
        %dma_wait3A_323 = tpu.memref_slice %arg6[%select_n3A_289, %dma_wait3A_320, %dma_wait3A_321, %dma_wait3A_322] : memref<3x4x40x128xf32, #tpu.memory_space<vmem>> -> memref<1x1x40x128xf32, #tpu.memory_space<vmem>>
        %dma_wait3A_324 = tpu.memref_squeeze %dma_wait3A_323 : memref<1x1x40x128xf32, #tpu.memory_space<vmem>> -> memref<40x128xf32, #tpu.memory_space<vmem>>
        %dma_wait3A_325 = arith.constant 256 : i32
        %dma_wait3A_326 = tpu.memref_slice %arg5[%mul3A_273, %dma_wait3A_325] : memref<50000x592xf32, #tpu.memory_space<hbm>> -> memref<40x128xf32, #tpu.memory_space<hbm>>
        %dma_wait3A_327 = tpu.memref_slice %arg11[%select_n3A_289] : memref<3x!tpu.dma_semaphore, #tpu.memory_space<semaphore_mem>> -> memref<1x!tpu.dma_semaphore, #tpu.memory_space<semaphore_mem>>
        %dma_wait3A_328 = tpu.memref_squeeze %dma_wait3A_327 : memref<1x!tpu.dma_semaphore, #tpu.memory_space<semaphore_mem>> -> memref<!tpu.dma_semaphore, #tpu.memory_space<semaphore_mem>>
        %dma_wait3A_329 = arith.constant 256 : i32
        %dma_wait3A_330 = tpu.memref_slice %arg5[%mul3A_273, %dma_wait3A_329] : memref<50000x592xf32, #tpu.memory_space<hbm>> -> memref<40x128xf32, #tpu.memory_space<hbm>>
        %dma_wait3A_331 = arith.constant 0 : i32
        %dma_wait3A_332 = arith.constant 0 : i32
        %dma_wait3A_333 = tpu.memref_slice %arg6[%select_n3A_289, %dma_wait3A_320, %dma_wait3A_331, %dma_wait3A_332] : memref<3x4x40x128xf32, #tpu.memory_space<vmem>> -> memref<1x1x40x128xf32, #tpu.memory_space<vmem>>
        %dma_wait3A_334 = tpu.memref_squeeze %dma_wait3A_333 : memref<1x1x40x128xf32, #tpu.memory_space<vmem>> -> memref<40x128xf32, #tpu.memory_space<vmem>>
        tpu.wait_dma2 semaphore(%dma_wait3A_328 : memref<!tpu.dma_semaphore, #tpu.memory_space<semaphore_mem>>) src(%dma_wait3A_334 : memref<40x128xf32, #tpu.memory_space<vmem>>) dst(%dma_wait3A_330 : memref<40x128xf32, #tpu.memory_space<hbm>>)
        %dma_wait3A_335 = arith.constant 3 : i32
        %dma_wait3A_336 = arith.constant 0 : i32
        %dma_wait3A_337 = arith.constant 0 : i32
        %dma_wait3A_338 = tpu.memref_slice %arg6[%select_n3A_289, %dma_wait3A_335, %dma_wait3A_336, %dma_wait3A_337] : memref<3x4x40x128xf32, #tpu.memory_space<vmem>> -> memref<1x1x40x128xf32, #tpu.memory_space<vmem>>
        %dma_wait3A_339 = tpu.memref_squeeze %dma_wait3A_338 : memref<1x1x40x128xf32, #tpu.memory_space<vmem>> -> memref<40x128xf32, #tpu.memory_space<vmem>>
        %dma_wait3A_340 = arith.constant 384 : i32
        %dma_wait3A_341 = tpu.memref_slice %arg5[%mul3A_273, %dma_wait3A_340] : memref<50000x592xf32, #tpu.memory_space<hbm>> -> memref<40x128xf32, #tpu.memory_space<hbm>>
        %dma_wait3A_342 = tpu.memref_slice %arg11[%select_n3A_289] : memref<3x!tpu.dma_semaphore, #tpu.memory_space<semaphore_mem>> -> memref<1x!tpu.dma_semaphore, #tpu.memory_space<semaphore_mem>>
        %dma_wait3A_343 = tpu.memref_squeeze %dma_wait3A_342 : memref<1x!tpu.dma_semaphore, #tpu.memory_space<semaphore_mem>> -> memref<!tpu.dma_semaphore, #tpu.memory_space<semaphore_mem>>
        %dma_wait3A_344 = arith.constant 384 : i32
        %dma_wait3A_345 = tpu.memref_slice %arg5[%mul3A_273, %dma_wait3A_344] : memref<50000x592xf32, #tpu.memory_space<hbm>> -> memref<40x128xf32, #tpu.memory_space<hbm>>
        %dma_wait3A_346 = arith.constant 0 : i32
        %dma_wait3A_347 = arith.constant 0 : i32
        %dma_wait3A_348 = tpu.memref_slice %arg6[%select_n3A_289, %dma_wait3A_335, %dma_wait3A_346, %dma_wait3A_347] : memref<3x4x40x128xf32, #tpu.memory_space<vmem>> -> memref<1x1x40x128xf32, #tpu.memory_space<vmem>>
        %dma_wait3A_349 = tpu.memref_squeeze %dma_wait3A_348 : memref<1x1x40x128xf32, #tpu.memory_space<vmem>> -> memref<40x128xf32, #tpu.memory_space<vmem>>
        tpu.wait_dma2 semaphore(%dma_wait3A_343 : memref<!tpu.dma_semaphore, #tpu.memory_space<semaphore_mem>>) src(%dma_wait3A_349 : memref<40x128xf32, #tpu.memory_space<vmem>>) dst(%dma_wait3A_345 : memref<40x128xf32, #tpu.memory_space<hbm>>)
        %dma_wait3A_350 = arith.constant 0 : i32
        %dma_wait3A_351 = arith.constant 0 : i32
        %dma_wait3A_352 = tpu.memref_slice %arg7[%select_n3A_289, %dma_wait3A_350, %dma_wait3A_351] : memref<3x40x80xf32, #tpu.memory_space<vmem>> -> memref<1x40x80xf32, #tpu.memory_space<vmem>>
        %dma_wait3A_353 = tpu.memref_squeeze %dma_wait3A_352 : memref<1x40x80xf32, #tpu.memory_space<vmem>> -> memref<40x80xf32, #tpu.memory_space<vmem>>
        %dma_wait3A_354 = arith.constant 512 : i32
        %dma_wait3A_355 = tpu.memref_slice %arg5[%mul3A_273, %dma_wait3A_354] : memref<50000x592xf32, #tpu.memory_space<hbm>> -> memref<40x80xf32, #tpu.memory_space<hbm>>
        %dma_wait3A_356 = tpu.memref_slice %arg11[%select_n3A_289] : memref<3x!tpu.dma_semaphore, #tpu.memory_space<semaphore_mem>> -> memref<1x!tpu.dma_semaphore, #tpu.memory_space<semaphore_mem>>
        %dma_wait3A_357 = tpu.memref_squeeze %dma_wait3A_356 : memref<1x!tpu.dma_semaphore, #tpu.memory_space<semaphore_mem>> -> memref<!tpu.dma_semaphore, #tpu.memory_space<semaphore_mem>>
        %dma_wait3A_358 = arith.constant 512 : i32
        %dma_wait3A_359 = tpu.memref_slice %arg5[%mul3A_273, %dma_wait3A_358] : memref<50000x592xf32, #tpu.memory_space<hbm>> -> memref<40x80xf32, #tpu.memory_space<hbm>>
        %dma_wait3A_360 = arith.constant 0 : i32
        %dma_wait3A_361 = arith.constant 0 : i32
        %dma_wait3A_362 = tpu.memref_slice %arg7[%select_n3A_289, %dma_wait3A_360, %dma_wait3A_361] : memref<3x40x80xf32, #tpu.memory_space<vmem>> -> memref<1x40x80xf32, #tpu.memory_space<vmem>>
        %dma_wait3A_363 = tpu.memref_squeeze %dma_wait3A_362 : memref<1x40x80xf32, #tpu.memory_space<vmem>> -> memref<40x80xf32, #tpu.memory_space<vmem>>
        tpu.wait_dma2 semaphore(%dma_wait3A_357 : memref<!tpu.dma_semaphore, #tpu.memory_space<semaphore_mem>>) src(%dma_wait3A_363 : memref<40x80xf32, #tpu.memory_space<vmem>>) dst(%dma_wait3A_359 : memref<40x80xf32, #tpu.memory_space<hbm>>)
      } else {
      }
      %add3A_166 = arith.constant 2 : i32
      %add3A_167 = arith.addi %while3A_45, %add3A_166 : i32
      %lt3A_168 = arith.cmpi slt, %add3A_167, %select_n3A : i32
      %convert_element_type3A_169 = arith.extui %lt3A_168 : i1 to i32
      %cond3A_170 = arith.constant 0 : i32
      %cond3A_171 = arith.cmpi ne, %convert_element_type3A_169, %cond3A_170 : i32
      scf.if %cond3A_171 {
        %add3A_267 = arith.constant 2 : i32
        %add3A_268 = arith.addi %while3A_45, %add3A_267 : i32
        %mul3A_269 = arith.constant 32 : i32
        %mul3A_270 = arith.muli %add3A_268, %mul3A_269 : i32
        %add3A_271 = arith.addi %add3A, %mul3A_270 : i32
        %mul3A_272 = arith.constant 40 : i32
        %mul3A_273 = arith.muli %add3A_271, %mul3A_272 : i32
        %jit3A_274 = arith.constant 3 : i32
        %eq3A_275 = arith.constant 0 : i32
        %eq3A_276 = arith.cmpi eq, %jit3A_274, %eq3A_275 : i32
        %jit3A_277 = arith.constant 1 : i32
        %select_n3A_278 = arith.select %eq3A_276, %jit3A_277, %jit3A_274 : i32
        %rem3A_279 = arith.remsi %add3A_268, %select_n3A_278 : i32
        %ne3A_280 = arith.constant 0 : i32
        %ne3A_281 = arith.cmpi ne, %rem3A_279, %ne3A_280 : i32
        %lt3A_282 = arith.constant 0 : i32
        %lt3A_283 = arith.cmpi slt, %rem3A_279, %lt3A_282 : i32
        %lt3A_284 = arith.constant 0 : i32
        %lt3A_285 = arith.cmpi slt, %select_n3A_278, %lt3A_284 : i32
        %ne3A_286 = arith.xori %lt3A_283, %lt3A_285 : i1
        %and3A_287 = arith.andi %ne3A_286, %ne3A_281 : i1
        %add3A_288 = arith.addi %rem3A_279, %select_n3A_278 : i32
        %select_n3A_289 = arith.select %and3A_287, %add3A_288, %rem3A_279 : i32
        %dma_start3A_290 = arith.constant 0 : i32
        %dma_start3A_291 = arith.constant 0 : i32
        %dma_start3A_292 = arith.constant 0 : i32
        %dma_start3A_293 = tpu.memref_slice %arg6[%select_n3A_289, %dma_start3A_290, %dma_start3A_291, %dma_start3A_292] : memref<3x4x40x128xf32, #tpu.memory_space<vmem>> -> memref<1x1x40x128xf32, #tpu.memory_space<vmem>>
        %dma_start3A_294 = tpu.memref_squeeze %dma_start3A_293 : memref<1x1x40x128xf32, #tpu.memory_space<vmem>> -> memref<40x128xf32, #tpu.memory_space<vmem>>
        %dma_start3A_295 = arith.constant 0 : i32
        %dma_start3A_296 = tpu.memref_slice %arg2[%mul3A_273, %dma_start3A_295] : memref<50000x592xf32, #tpu.memory_space<hbm>> -> memref<40x128xf32, #tpu.memory_space<hbm>>
        %dma_start3A_297 = tpu.memref_slice %arg10[%select_n3A_289] : memref<3x!tpu.dma_semaphore, #tpu.memory_space<semaphore_mem>> -> memref<1x!tpu.dma_semaphore, #tpu.memory_space<semaphore_mem>>
        %dma_start3A_298 = tpu.memref_squeeze %dma_start3A_297 : memref<1x!tpu.dma_semaphore, #tpu.memory_space<semaphore_mem>> -> memref<!tpu.dma_semaphore, #tpu.memory_space<semaphore_mem>>
        %dma_start3A_299 = arith.constant 0 : i32
        %dma_start3A_300 = arith.constant 0 : i32
        %dma_start3A_301 = tpu.memref_slice %arg6[%select_n3A_289, %dma_start3A_290, %dma_start3A_299, %dma_start3A_300] : memref<3x4x40x128xf32, #tpu.memory_space<vmem>> -> memref<1x1x40x128xf32, #tpu.memory_space<vmem>>
        %dma_start3A_302 = tpu.memref_squeeze %dma_start3A_301 : memref<1x1x40x128xf32, #tpu.memory_space<vmem>> -> memref<40x128xf32, #tpu.memory_space<vmem>>
        %dma_start3A_303 = arith.constant 0 : i32
        %dma_start3A_304 = tpu.memref_slice %arg2[%mul3A_273, %dma_start3A_303] : memref<50000x592xf32, #tpu.memory_space<hbm>> -> memref<40x128xf32, #tpu.memory_space<hbm>>
        tpu.enqueue_dma source(%dma_start3A_304 : memref<40x128xf32, #tpu.memory_space<hbm>>) target(%dma_start3A_302 : memref<40x128xf32, #tpu.memory_space<vmem>>) target_semaphore(%dma_start3A_298 : memref<!tpu.dma_semaphore, #tpu.memory_space<semaphore_mem>>)
        %dma_start3A_305 = arith.constant 1 : i32
        %dma_start3A_306 = arith.constant 0 : i32
        %dma_start3A_307 = arith.constant 0 : i32
        %dma_start3A_308 = tpu.memref_slice %arg6[%select_n3A_289, %dma_start3A_305, %dma_start3A_306, %dma_start3A_307] : memref<3x4x40x128xf32, #tpu.memory_space<vmem>> -> memref<1x1x40x128xf32, #tpu.memory_space<vmem>>
        %dma_start3A_309 = tpu.memref_squeeze %dma_start3A_308 : memref<1x1x40x128xf32, #tpu.memory_space<vmem>> -> memref<40x128xf32, #tpu.memory_space<vmem>>
        %dma_start3A_310 = arith.constant 128 : i32
        %dma_start3A_311 = tpu.memref_slice %arg2[%mul3A_273, %dma_start3A_310] : memref<50000x592xf32, #tpu.memory_space<hbm>> -> memref<40x128xf32, #tpu.memory_space<hbm>>
        %dma_start3A_312 = tpu.memref_slice %arg10[%select_n3A_289] : memref<3x!tpu.dma_semaphore, #tpu.memory_space<semaphore_mem>> -> memref<1x!tpu.dma_semaphore, #tpu.memory_space<semaphore_mem>>
        %dma_start3A_313 = tpu.memref_squeeze %dma_start3A_312 : memref<1x!tpu.dma_semaphore, #tpu.memory_space<semaphore_mem>> -> memref<!tpu.dma_semaphore, #tpu.memory_space<semaphore_mem>>
        %dma_start3A_314 = arith.constant 0 : i32
        %dma_start3A_315 = arith.constant 0 : i32
        %dma_start3A_316 = tpu.memref_slice %arg6[%select_n3A_289, %dma_start3A_305, %dma_start3A_314, %dma_start3A_315] : memref<3x4x40x128xf32, #tpu.memory_space<vmem>> -> memref<1x1x40x128xf32, #tpu.memory_space<vmem>>
        %dma_start3A_317 = tpu.memref_squeeze %dma_start3A_316 : memref<1x1x40x128xf32, #tpu.memory_space<vmem>> -> memref<40x128xf32, #tpu.memory_space<vmem>>
        %dma_start3A_318 = arith.constant 128 : i32
        %dma_start3A_319 = tpu.memref_slice %arg2[%mul3A_273, %dma_start3A_318] : memref<50000x592xf32, #tpu.memory_space<hbm>> -> memref<40x128xf32, #tpu.memory_space<hbm>>
        tpu.enqueue_dma source(%dma_start3A_319 : memref<40x128xf32, #tpu.memory_space<hbm>>) target(%dma_start3A_317 : memref<40x128xf32, #tpu.memory_space<vmem>>) target_semaphore(%dma_start3A_313 : memref<!tpu.dma_semaphore, #tpu.memory_space<semaphore_mem>>)
        %dma_start3A_320 = arith.constant 2 : i32
        %dma_start3A_321 = arith.constant 0 : i32
        %dma_start3A_322 = arith.constant 0 : i32
        %dma_start3A_323 = tpu.memref_slice %arg6[%select_n3A_289, %dma_start3A_320, %dma_start3A_321, %dma_start3A_322] : memref<3x4x40x128xf32, #tpu.memory_space<vmem>> -> memref<1x1x40x128xf32, #tpu.memory_space<vmem>>
        %dma_start3A_324 = tpu.memref_squeeze %dma_start3A_323 : memref<1x1x40x128xf32, #tpu.memory_space<vmem>> -> memref<40x128xf32, #tpu.memory_space<vmem>>
        %dma_start3A_325 = arith.constant 256 : i32
        %dma_start3A_326 = tpu.memref_slice %arg2[%mul3A_273, %dma_start3A_325] : memref<50000x592xf32, #tpu.memory_space<hbm>> -> memref<40x128xf32, #tpu.memory_space<hbm>>
        %dma_start3A_327 = tpu.memref_slice %arg10[%select_n3A_289] : memref<3x!tpu.dma_semaphore, #tpu.memory_space<semaphore_mem>> -> memref<1x!tpu.dma_semaphore, #tpu.memory_space<semaphore_mem>>
        %dma_start3A_328 = tpu.memref_squeeze %dma_start3A_327 : memref<1x!tpu.dma_semaphore, #tpu.memory_space<semaphore_mem>> -> memref<!tpu.dma_semaphore, #tpu.memory_space<semaphore_mem>>
        %dma_start3A_329 = arith.constant 0 : i32
        %dma_start3A_330 = arith.constant 0 : i32
        %dma_start3A_331 = tpu.memref_slice %arg6[%select_n3A_289, %dma_start3A_320, %dma_start3A_329, %dma_start3A_330] : memref<3x4x40x128xf32, #tpu.memory_space<vmem>> -> memref<1x1x40x128xf32, #tpu.memory_space<vmem>>
        %dma_start3A_332 = tpu.memref_squeeze %dma_start3A_331 : memref<1x1x40x128xf32, #tpu.memory_space<vmem>> -> memref<40x128xf32, #tpu.memory_space<vmem>>
        %dma_start3A_333 = arith.constant 256 : i32
        %dma_start3A_334 = tpu.memref_slice %arg2[%mul3A_273, %dma_start3A_333] : memref<50000x592xf32, #tpu.memory_space<hbm>> -> memref<40x128xf32, #tpu.memory_space<hbm>>
        tpu.enqueue_dma source(%dma_start3A_334 : memref<40x128xf32, #tpu.memory_space<hbm>>) target(%dma_start3A_332 : memref<40x128xf32, #tpu.memory_space<vmem>>) target_semaphore(%dma_start3A_328 : memref<!tpu.dma_semaphore, #tpu.memory_space<semaphore_mem>>)
        %dma_start3A_335 = arith.constant 3 : i32
        %dma_start3A_336 = arith.constant 0 : i32
        %dma_start3A_337 = arith.constant 0 : i32
        %dma_start3A_338 = tpu.memref_slice %arg6[%select_n3A_289, %dma_start3A_335, %dma_start3A_336, %dma_start3A_337] : memref<3x4x40x128xf32, #tpu.memory_space<vmem>> -> memref<1x1x40x128xf32, #tpu.memory_space<vmem>>
        %dma_start3A_339 = tpu.memref_squeeze %dma_start3A_338 : memref<1x1x40x128xf32, #tpu.memory_space<vmem>> -> memref<40x128xf32, #tpu.memory_space<vmem>>
        %dma_start3A_340 = arith.constant 384 : i32
        %dma_start3A_341 = tpu.memref_slice %arg2[%mul3A_273, %dma_start3A_340] : memref<50000x592xf32, #tpu.memory_space<hbm>> -> memref<40x128xf32, #tpu.memory_space<hbm>>
        %dma_start3A_342 = tpu.memref_slice %arg10[%select_n3A_289] : memref<3x!tpu.dma_semaphore, #tpu.memory_space<semaphore_mem>> -> memref<1x!tpu.dma_semaphore, #tpu.memory_space<semaphore_mem>>
        %dma_start3A_343 = tpu.memref_squeeze %dma_start3A_342 : memref<1x!tpu.dma_semaphore, #tpu.memory_space<semaphore_mem>> -> memref<!tpu.dma_semaphore, #tpu.memory_space<semaphore_mem>>
        %dma_start3A_344 = arith.constant 0 : i32
        %dma_start3A_345 = arith.constant 0 : i32
        %dma_start3A_346 = tpu.memref_slice %arg6[%select_n3A_289, %dma_start3A_335, %dma_start3A_344, %dma_start3A_345] : memref<3x4x40x128xf32, #tpu.memory_space<vmem>> -> memref<1x1x40x128xf32, #tpu.memory_space<vmem>>
        %dma_start3A_347 = tpu.memref_squeeze %dma_start3A_346 : memref<1x1x40x128xf32, #tpu.memory_space<vmem>> -> memref<40x128xf32, #tpu.memory_space<vmem>>
        %dma_start3A_348 = arith.constant 384 : i32
        %dma_start3A_349 = tpu.memref_slice %arg2[%mul3A_273, %dma_start3A_348] : memref<50000x592xf32, #tpu.memory_space<hbm>> -> memref<40x128xf32, #tpu.memory_space<hbm>>
        tpu.enqueue_dma source(%dma_start3A_349 : memref<40x128xf32, #tpu.memory_space<hbm>>) target(%dma_start3A_347 : memref<40x128xf32, #tpu.memory_space<vmem>>) target_semaphore(%dma_start3A_343 : memref<!tpu.dma_semaphore, #tpu.memory_space<semaphore_mem>>)
        %dma_start3A_350 = arith.constant 0 : i32
        %dma_start3A_351 = arith.constant 0 : i32
        %dma_start3A_352 = tpu.memref_slice %arg7[%select_n3A_289, %dma_start3A_350, %dma_start3A_351] : memref<3x40x80xf32, #tpu.memory_space<vmem>> -> memref<1x40x80xf32, #tpu.memory_space<vmem>>
        %dma_start3A_353 = tpu.memref_squeeze %dma_start3A_352 : memref<1x40x80xf32, #tpu.memory_space<vmem>> -> memref<40x80xf32, #tpu.memory_space<vmem>>
        %dma_start3A_354 = arith.constant 512 : i32
        %dma_start3A_355 = tpu.memref_slice %arg2[%mul3A_273, %dma_start3A_354] : memref<50000x592xf32, #tpu.memory_space<hbm>> -> memref<40x80xf32, #tpu.memory_space<hbm>>
        %dma_start3A_356 = tpu.memref_slice %arg10[%select_n3A_289] : memref<3x!tpu.dma_semaphore, #tpu.memory_space<semaphore_mem>> -> memref<1x!tpu.dma_semaphore, #tpu.memory_space<semaphore_mem>>
        %dma_start3A_357 = tpu.memref_squeeze %dma_start3A_356 : memref<1x!tpu.dma_semaphore, #tpu.memory_space<semaphore_mem>> -> memref<!tpu.dma_semaphore, #tpu.memory_space<semaphore_mem>>
        %dma_start3A_358 = arith.constant 0 : i32
        %dma_start3A_359 = arith.constant 0 : i32
        %dma_start3A_360 = tpu.memref_slice %arg7[%select_n3A_289, %dma_start3A_358, %dma_start3A_359] : memref<3x40x80xf32, #tpu.memory_space<vmem>> -> memref<1x40x80xf32, #tpu.memory_space<vmem>>
        %dma_start3A_361 = tpu.memref_squeeze %dma_start3A_360 : memref<1x40x80xf32, #tpu.memory_space<vmem>> -> memref<40x80xf32, #tpu.memory_space<vmem>>
        %dma_start3A_362 = arith.constant 512 : i32
        %dma_start3A_363 = tpu.memref_slice %arg2[%mul3A_273, %dma_start3A_362] : memref<50000x592xf32, #tpu.memory_space<hbm>> -> memref<40x80xf32, #tpu.memory_space<hbm>>
        tpu.enqueue_dma source(%dma_start3A_363 : memref<40x80xf32, #tpu.memory_space<hbm>>) target(%dma_start3A_361 : memref<40x80xf32, #tpu.memory_space<vmem>>) target_semaphore(%dma_start3A_357 : memref<!tpu.dma_semaphore, #tpu.memory_space<semaphore_mem>>)
      } else {
      }
      %mul3A_172 = arith.constant 32 : i32
      %mul3A_173 = arith.muli %while3A_45, %mul3A_172 : i32
      %add3A_174 = arith.addi %add3A, %mul3A_173 : i32
      %mul3A_175 = arith.constant 40 : i32
      %mul3A_176 = arith.muli %add3A_174, %mul3A_175 : i32
      %jit3A_177 = arith.constant 3 : i32
      %eq3A_178 = arith.constant 0 : i32
      %eq3A_179 = arith.cmpi eq, %jit3A_177, %eq3A_178 : i32
      %jit3A_180 = arith.constant 1 : i32
      %select_n3A_181 = arith.select %eq3A_179, %jit3A_180, %jit3A_177 : i32
      %rem3A_182 = arith.remsi %while3A_45, %select_n3A_181 : i32
      %ne3A_183 = arith.constant 0 : i32
      %ne3A_184 = arith.cmpi ne, %rem3A_182, %ne3A_183 : i32
      %lt3A_185 = arith.constant 0 : i32
      %lt3A_186 = arith.cmpi slt, %rem3A_182, %lt3A_185 : i32
      %lt3A_187 = arith.constant 0 : i32
      %lt3A_188 = arith.cmpi slt, %select_n3A_181, %lt3A_187 : i32
      %ne3A_189 = arith.xori %lt3A_186, %lt3A_188 : i1
      %and3A_190 = arith.andi %ne3A_189, %ne3A_184 : i1
      %add3A_191 = arith.addi %rem3A_182, %select_n3A_181 : i32
      %select_n3A_192 = arith.select %and3A_190, %add3A_191, %rem3A_182 : i32
      %dma_start3A = arith.constant 0 : i32
      %dma_start3A_193 = arith.constant 0 : i32
      %dma_start3A_194 = arith.constant 0 : i32
      %dma_start3A_195 = tpu.memref_slice %arg6[%select_n3A_192, %dma_start3A, %dma_start3A_193, %dma_start3A_194] : memref<3x4x40x128xf32, #tpu.memory_space<vmem>> -> memref<1x1x40x128xf32, #tpu.memory_space<vmem>>
      %dma_start3A_196 = tpu.memref_squeeze %dma_start3A_195 : memref<1x1x40x128xf32, #tpu.memory_space<vmem>> -> memref<40x128xf32, #tpu.memory_space<vmem>>
      %dma_start3A_197 = arith.constant 0 : i32
      %dma_start3A_198 = tpu.memref_slice %arg5[%mul3A_176, %dma_start3A_197] : memref<50000x592xf32, #tpu.memory_space<hbm>> -> memref<40x128xf32, #tpu.memory_space<hbm>>
      %dma_start3A_199 = tpu.memref_slice %arg11[%select_n3A_192] : memref<3x!tpu.dma_semaphore, #tpu.memory_space<semaphore_mem>> -> memref<1x!tpu.dma_semaphore, #tpu.memory_space<semaphore_mem>>
      %dma_start3A_200 = tpu.memref_squeeze %dma_start3A_199 : memref<1x!tpu.dma_semaphore, #tpu.memory_space<semaphore_mem>> -> memref<!tpu.dma_semaphore, #tpu.memory_space<semaphore_mem>>
      %dma_start3A_201 = arith.constant 0 : i32
      %dma_start3A_202 = tpu.memref_slice %arg5[%mul3A_176, %dma_start3A_201] : memref<50000x592xf32, #tpu.memory_space<hbm>> -> memref<40x128xf32, #tpu.memory_space<hbm>>
      %dma_start3A_203 = arith.constant 0 : i32
      %dma_start3A_204 = arith.constant 0 : i32
      %dma_start3A_205 = tpu.memref_slice %arg6[%select_n3A_192, %dma_start3A, %dma_start3A_203, %dma_start3A_204] : memref<3x4x40x128xf32, #tpu.memory_space<vmem>> -> memref<1x1x40x128xf32, #tpu.memory_space<vmem>>
      %dma_start3A_206 = tpu.memref_squeeze %dma_start3A_205 : memref<1x1x40x128xf32, #tpu.memory_space<vmem>> -> memref<40x128xf32, #tpu.memory_space<vmem>>
      tpu.enqueue_dma source(%dma_start3A_206 : memref<40x128xf32, #tpu.memory_space<vmem>>) target(%dma_start3A_202 : memref<40x128xf32, #tpu.memory_space<hbm>>) target_semaphore(%dma_start3A_200 : memref<!tpu.dma_semaphore, #tpu.memory_space<semaphore_mem>>)
      %dma_start3A_207 = arith.constant 1 : i32
      %dma_start3A_208 = arith.constant 0 : i32
      %dma_start3A_209 = arith.constant 0 : i32
      %dma_start3A_210 = tpu.memref_slice %arg6[%select_n3A_192, %dma_start3A_207, %dma_start3A_208, %dma_start3A_209] : memref<3x4x40x128xf32, #tpu.memory_space<vmem>> -> memref<1x1x40x128xf32, #tpu.memory_space<vmem>>
      %dma_start3A_211 = tpu.memref_squeeze %dma_start3A_210 : memref<1x1x40x128xf32, #tpu.memory_space<vmem>> -> memref<40x128xf32, #tpu.memory_space<vmem>>
      %dma_start3A_212 = arith.constant 128 : i32
      %dma_start3A_213 = tpu.memref_slice %arg5[%mul3A_176, %dma_start3A_212] : memref<50000x592xf32, #tpu.memory_space<hbm>> -> memref<40x128xf32, #tpu.memory_space<hbm>>
      %dma_start3A_214 = tpu.memref_slice %arg11[%select_n3A_192] : memref<3x!tpu.dma_semaphore, #tpu.memory_space<semaphore_mem>> -> memref<1x!tpu.dma_semaphore, #tpu.memory_space<semaphore_mem>>
      %dma_start3A_215 = tpu.memref_squeeze %dma_start3A_214 : memref<1x!tpu.dma_semaphore, #tpu.memory_space<semaphore_mem>> -> memref<!tpu.dma_semaphore, #tpu.memory_space<semaphore_mem>>
      %dma_start3A_216 = arith.constant 128 : i32
      %dma_start3A_217 = tpu.memref_slice %arg5[%mul3A_176, %dma_start3A_216] : memref<50000x592xf32, #tpu.memory_space<hbm>> -> memref<40x128xf32, #tpu.memory_space<hbm>>
      %dma_start3A_218 = arith.constant 0 : i32
      %dma_start3A_219 = arith.constant 0 : i32
      %dma_start3A_220 = tpu.memref_slice %arg6[%select_n3A_192, %dma_start3A_207, %dma_start3A_218, %dma_start3A_219] : memref<3x4x40x128xf32, #tpu.memory_space<vmem>> -> memref<1x1x40x128xf32, #tpu.memory_space<vmem>>
      %dma_start3A_221 = tpu.memref_squeeze %dma_start3A_220 : memref<1x1x40x128xf32, #tpu.memory_space<vmem>> -> memref<40x128xf32, #tpu.memory_space<vmem>>
      tpu.enqueue_dma source(%dma_start3A_221 : memref<40x128xf32, #tpu.memory_space<vmem>>) target(%dma_start3A_217 : memref<40x128xf32, #tpu.memory_space<hbm>>) target_semaphore(%dma_start3A_215 : memref<!tpu.dma_semaphore, #tpu.memory_space<semaphore_mem>>)
      %dma_start3A_222 = arith.constant 2 : i32
      %dma_start3A_223 = arith.constant 0 : i32
      %dma_start3A_224 = arith.constant 0 : i32
      %dma_start3A_225 = tpu.memref_slice %arg6[%select_n3A_192, %dma_start3A_222, %dma_start3A_223, %dma_start3A_224] : memref<3x4x40x128xf32, #tpu.memory_space<vmem>> -> memref<1x1x40x128xf32, #tpu.memory_space<vmem>>
      %dma_start3A_226 = tpu.memref_squeeze %dma_start3A_225 : memref<1x1x40x128xf32, #tpu.memory_space<vmem>> -> memref<40x128xf32, #tpu.memory_space<vmem>>
      %dma_start3A_227 = arith.constant 256 : i32
      %dma_start3A_228 = tpu.memref_slice %arg5[%mul3A_176, %dma_start3A_227] : memref<50000x592xf32, #tpu.memory_space<hbm>> -> memref<40x128xf32, #tpu.memory_space<hbm>>
      %dma_start3A_229 = tpu.memref_slice %arg11[%select_n3A_192] : memref<3x!tpu.dma_semaphore, #tpu.memory_space<semaphore_mem>> -> memref<1x!tpu.dma_semaphore, #tpu.memory_space<semaphore_mem>>
      %dma_start3A_230 = tpu.memref_squeeze %dma_start3A_229 : memref<1x!tpu.dma_semaphore, #tpu.memory_space<semaphore_mem>> -> memref<!tpu.dma_semaphore, #tpu.memory_space<semaphore_mem>>
      %dma_start3A_231 = arith.constant 256 : i32
      %dma_start3A_232 = tpu.memref_slice %arg5[%mul3A_176, %dma_start3A_231] : memref<50000x592xf32, #tpu.memory_space<hbm>> -> memref<40x128xf32, #tpu.memory_space<hbm>>
      %dma_start3A_233 = arith.constant 0 : i32
      %dma_start3A_234 = arith.constant 0 : i32
      %dma_start3A_235 = tpu.memref_slice %arg6[%select_n3A_192, %dma_start3A_222, %dma_start3A_233, %dma_start3A_234] : memref<3x4x40x128xf32, #tpu.memory_space<vmem>> -> memref<1x1x40x128xf32, #tpu.memory_space<vmem>>
      %dma_start3A_236 = tpu.memref_squeeze %dma_start3A_235 : memref<1x1x40x128xf32, #tpu.memory_space<vmem>> -> memref<40x128xf32, #tpu.memory_space<vmem>>
      tpu.enqueue_dma source(%dma_start3A_236 : memref<40x128xf32, #tpu.memory_space<vmem>>) target(%dma_start3A_232 : memref<40x128xf32, #tpu.memory_space<hbm>>) target_semaphore(%dma_start3A_230 : memref<!tpu.dma_semaphore, #tpu.memory_space<semaphore_mem>>)
      %dma_start3A_237 = arith.constant 3 : i32
      %dma_start3A_238 = arith.constant 0 : i32
      %dma_start3A_239 = arith.constant 0 : i32
      %dma_start3A_240 = tpu.memref_slice %arg6[%select_n3A_192, %dma_start3A_237, %dma_start3A_238, %dma_start3A_239] : memref<3x4x40x128xf32, #tpu.memory_space<vmem>> -> memref<1x1x40x128xf32, #tpu.memory_space<vmem>>
      %dma_start3A_241 = tpu.memref_squeeze %dma_start3A_240 : memref<1x1x40x128xf32, #tpu.memory_space<vmem>> -> memref<40x128xf32, #tpu.memory_space<vmem>>
      %dma_start3A_242 = arith.constant 384 : i32
      %dma_start3A_243 = tpu.memref_slice %arg5[%mul3A_176, %dma_start3A_242] : memref<50000x592xf32, #tpu.memory_space<hbm>> -> memref<40x128xf32, #tpu.memory_space<hbm>>
      %dma_start3A_244 = tpu.memref_slice %arg11[%select_n3A_192] : memref<3x!tpu.dma_semaphore, #tpu.memory_space<semaphore_mem>> -> memref<1x!tpu.dma_semaphore, #tpu.memory_space<semaphore_mem>>
      %dma_start3A_245 = tpu.memref_squeeze %dma_start3A_244 : memref<1x!tpu.dma_semaphore, #tpu.memory_space<semaphore_mem>> -> memref<!tpu.dma_semaphore, #tpu.memory_space<semaphore_mem>>
      %dma_start3A_246 = arith.constant 384 : i32
      %dma_start3A_247 = tpu.memref_slice %arg5[%mul3A_176, %dma_start3A_246] : memref<50000x592xf32, #tpu.memory_space<hbm>> -> memref<40x128xf32, #tpu.memory_space<hbm>>
      %dma_start3A_248 = arith.constant 0 : i32
      %dma_start3A_249 = arith.constant 0 : i32
      %dma_start3A_250 = tpu.memref_slice %arg6[%select_n3A_192, %dma_start3A_237, %dma_start3A_248, %dma_start3A_249] : memref<3x4x40x128xf32, #tpu.memory_space<vmem>> -> memref<1x1x40x128xf32, #tpu.memory_space<vmem>>
      %dma_start3A_251 = tpu.memref_squeeze %dma_start3A_250 : memref<1x1x40x128xf32, #tpu.memory_space<vmem>> -> memref<40x128xf32, #tpu.memory_space<vmem>>
      tpu.enqueue_dma source(%dma_start3A_251 : memref<40x128xf32, #tpu.memory_space<vmem>>) target(%dma_start3A_247 : memref<40x128xf32, #tpu.memory_space<hbm>>) target_semaphore(%dma_start3A_245 : memref<!tpu.dma_semaphore, #tpu.memory_space<semaphore_mem>>)
      %dma_start3A_252 = arith.constant 0 : i32
      %dma_start3A_253 = arith.constant 0 : i32
      %dma_start3A_254 = tpu.memref_slice %arg7[%select_n3A_192, %dma_start3A_252, %dma_start3A_253] : memref<3x40x80xf32, #tpu.memory_space<vmem>> -> memref<1x40x80xf32, #tpu.memory_space<vmem>>
      %dma_start3A_255 = tpu.memref_squeeze %dma_start3A_254 : memref<1x40x80xf32, #tpu.memory_space<vmem>> -> memref<40x80xf32, #tpu.memory_space<vmem>>
      %dma_start3A_256 = arith.constant 512 : i32
      %dma_start3A_257 = tpu.memref_slice %arg5[%mul3A_176, %dma_start3A_256] : memref<50000x592xf32, #tpu.memory_space<hbm>> -> memref<40x80xf32, #tpu.memory_space<hbm>>
      %dma_start3A_258 = tpu.memref_slice %arg11[%select_n3A_192] : memref<3x!tpu.dma_semaphore, #tpu.memory_space<semaphore_mem>> -> memref<1x!tpu.dma_semaphore, #tpu.memory_space<semaphore_mem>>
      %dma_start3A_259 = tpu.memref_squeeze %dma_start3A_258 : memref<1x!tpu.dma_semaphore, #tpu.memory_space<semaphore_mem>> -> memref<!tpu.dma_semaphore, #tpu.memory_space<semaphore_mem>>
      %dma_start3A_260 = arith.constant 512 : i32
      %dma_start3A_261 = tpu.memref_slice %arg5[%mul3A_176, %dma_start3A_260] : memref<50000x592xf32, #tpu.memory_space<hbm>> -> memref<40x80xf32, #tpu.memory_space<hbm>>
      %dma_start3A_262 = arith.constant 0 : i32
      %dma_start3A_263 = arith.constant 0 : i32
      %dma_start3A_264 = tpu.memref_slice %arg7[%select_n3A_192, %dma_start3A_262, %dma_start3A_263] : memref<3x40x80xf32, #tpu.memory_space<vmem>> -> memref<1x40x80xf32, #tpu.memory_space<vmem>>
      %dma_start3A_265 = tpu.memref_squeeze %dma_start3A_264 : memref<1x40x80xf32, #tpu.memory_space<vmem>> -> memref<40x80xf32, #tpu.memory_space<vmem>>
      tpu.enqueue_dma source(%dma_start3A_265 : memref<40x80xf32, #tpu.memory_space<vmem>>) target(%dma_start3A_261 : memref<40x80xf32, #tpu.memory_space<hbm>>) target_semaphore(%dma_start3A_259 : memref<!tpu.dma_semaphore, #tpu.memory_space<semaphore_mem>>)
      %while3A_266 = arith.constant 0 : i32
      scf.yield %while3A_266 : i32
    }
    %ge3A = arith.constant 1 : i32
    %ge3A_41 = arith.cmpi sge, %select_n3A, %ge3A : i32
    %convert_element_type3A_42 = arith.extui %ge3A_41 : i1 to i32
    %cond3A_43 = arith.constant 0 : i32
    %cond3A_44 = arith.cmpi ne, %convert_element_type3A_42, %cond3A_43 : i32
    scf.if %cond3A_44 {
      %sub3A_45 = arith.constant 1 : i32
      %sub3A_46 = arith.subi %select_n3A, %sub3A_45 : i32
      %mul3A_47 = arith.constant 32 : i32
      %mul3A_48 = arith.muli %sub3A_46, %mul3A_47 : i32
      %add3A_49 = arith.addi %add3A, %mul3A_48 : i32
      %mul3A_50 = arith.constant 40 : i32
      %mul3A_51 = arith.muli %add3A_49, %mul3A_50 : i32
      %jit3A_52 = arith.constant 3 : i32
      %eq3A = arith.constant 0 : i32
      %eq3A_53 = arith.cmpi eq, %jit3A_52, %eq3A : i32
      %jit3A_54 = arith.constant 1 : i32
      %select_n3A_55 = arith.select %eq3A_53, %jit3A_54, %jit3A_52 : i32
      %rem3A_56 = arith.remsi %sub3A_46, %select_n3A_55 : i32
      %ne3A_57 = arith.constant 0 : i32
      %ne3A_58 = arith.cmpi ne, %rem3A_56, %ne3A_57 : i32
      %lt3A = arith.constant 0 : i32
      %lt3A_59 = arith.cmpi slt, %rem3A_56, %lt3A : i32
      %lt3A_60 = arith.constant 0 : i32
      %lt3A_61 = arith.cmpi slt, %select_n3A_55, %lt3A_60 : i32
      %ne3A_62 = arith.xori %lt3A_59, %lt3A_61 : i1
      %and3A_63 = arith.andi %ne3A_62, %ne3A_58 : i1
      %add3A_64 = arith.addi %rem3A_56, %select_n3A_55 : i32
      %select_n3A_65 = arith.select %and3A_63, %add3A_64, %rem3A_56 : i32
      %dma_wait3A = arith.constant 0 : i32
      %dma_wait3A_66 = arith.constant 0 : i32
      %dma_wait3A_67 = arith.constant 0 : i32
      %dma_wait3A_68 = tpu.memref_slice %arg6[%select_n3A_65, %dma_wait3A, %dma_wait3A_66, %dma_wait3A_67] : memref<3x4x40x128xf32, #tpu.memory_space<vmem>> -> memref<1x1x40x128xf32, #tpu.memory_space<vmem>>
      %dma_wait3A_69 = tpu.memref_squeeze %dma_wait3A_68 : memref<1x1x40x128xf32, #tpu.memory_space<vmem>> -> memref<40x128xf32, #tpu.memory_space<vmem>>
      %dma_wait3A_70 = arith.constant 0 : i32
      %dma_wait3A_71 = tpu.memref_slice %arg5[%mul3A_51, %dma_wait3A_70] : memref<50000x592xf32, #tpu.memory_space<hbm>> -> memref<40x128xf32, #tpu.memory_space<hbm>>
      %dma_wait3A_72 = tpu.memref_slice %arg11[%select_n3A_65] : memref<3x!tpu.dma_semaphore, #tpu.memory_space<semaphore_mem>> -> memref<1x!tpu.dma_semaphore, #tpu.memory_space<semaphore_mem>>
      %dma_wait3A_73 = tpu.memref_squeeze %dma_wait3A_72 : memref<1x!tpu.dma_semaphore, #tpu.memory_space<semaphore_mem>> -> memref<!tpu.dma_semaphore, #tpu.memory_space<semaphore_mem>>
      %dma_wait3A_74 = arith.constant 0 : i32
      %dma_wait3A_75 = tpu.memref_slice %arg5[%mul3A_51, %dma_wait3A_74] : memref<50000x592xf32, #tpu.memory_space<hbm>> -> memref<40x128xf32, #tpu.memory_space<hbm>>
      %dma_wait3A_76 = arith.constant 0 : i32
      %dma_wait3A_77 = arith.constant 0 : i32
      %dma_wait3A_78 = tpu.memref_slice %arg6[%select_n3A_65, %dma_wait3A, %dma_wait3A_76, %dma_wait3A_77] : memref<3x4x40x128xf32, #tpu.memory_space<vmem>> -> memref<1x1x40x128xf32, #tpu.memory_space<vmem>>
      %dma_wait3A_79 = tpu.memref_squeeze %dma_wait3A_78 : memref<1x1x40x128xf32, #tpu.memory_space<vmem>> -> memref<40x128xf32, #tpu.memory_space<vmem>>
      tpu.wait_dma2 semaphore(%dma_wait3A_73 : memref<!tpu.dma_semaphore, #tpu.memory_space<semaphore_mem>>) src(%dma_wait3A_79 : memref<40x128xf32, #tpu.memory_space<vmem>>) dst(%dma_wait3A_75 : memref<40x128xf32, #tpu.memory_space<hbm>>)
      %dma_wait3A_80 = arith.constant 1 : i32
      %dma_wait3A_81 = arith.constant 0 : i32
      %dma_wait3A_82 = arith.constant 0 : i32
      %dma_wait3A_83 = tpu.memref_slice %arg6[%select_n3A_65, %dma_wait3A_80, %dma_wait3A_81, %dma_wait3A_82] : memref<3x4x40x128xf32, #tpu.memory_space<vmem>> -> memref<1x1x40x128xf32, #tpu.memory_space<vmem>>
      %dma_wait3A_84 = tpu.memref_squeeze %dma_wait3A_83 : memref<1x1x40x128xf32, #tpu.memory_space<vmem>> -> memref<40x128xf32, #tpu.memory_space<vmem>>
      %dma_wait3A_85 = arith.constant 128 : i32
      %dma_wait3A_86 = tpu.memref_slice %arg5[%mul3A_51, %dma_wait3A_85] : memref<50000x592xf32, #tpu.memory_space<hbm>> -> memref<40x128xf32, #tpu.memory_space<hbm>>
      %dma_wait3A_87 = tpu.memref_slice %arg11[%select_n3A_65] : memref<3x!tpu.dma_semaphore, #tpu.memory_space<semaphore_mem>> -> memref<1x!tpu.dma_semaphore, #tpu.memory_space<semaphore_mem>>
      %dma_wait3A_88 = tpu.memref_squeeze %dma_wait3A_87 : memref<1x!tpu.dma_semaphore, #tpu.memory_space<semaphore_mem>> -> memref<!tpu.dma_semaphore, #tpu.memory_space<semaphore_mem>>
      %dma_wait3A_89 = arith.constant 128 : i32
      %dma_wait3A_90 = tpu.memref_slice %arg5[%mul3A_51, %dma_wait3A_89] : memref<50000x592xf32, #tpu.memory_space<hbm>> -> memref<40x128xf32, #tpu.memory_space<hbm>>
      %dma_wait3A_91 = arith.constant 0 : i32
      %dma_wait3A_92 = arith.constant 0 : i32
      %dma_wait3A_93 = tpu.memref_slice %arg6[%select_n3A_65, %dma_wait3A_80, %dma_wait3A_91, %dma_wait3A_92] : memref<3x4x40x128xf32, #tpu.memory_space<vmem>> -> memref<1x1x40x128xf32, #tpu.memory_space<vmem>>
      %dma_wait3A_94 = tpu.memref_squeeze %dma_wait3A_93 : memref<1x1x40x128xf32, #tpu.memory_space<vmem>> -> memref<40x128xf32, #tpu.memory_space<vmem>>
      tpu.wait_dma2 semaphore(%dma_wait3A_88 : memref<!tpu.dma_semaphore, #tpu.memory_space<semaphore_mem>>) src(%dma_wait3A_94 : memref<40x128xf32, #tpu.memory_space<vmem>>) dst(%dma_wait3A_90 : memref<40x128xf32, #tpu.memory_space<hbm>>)
      %dma_wait3A_95 = arith.constant 2 : i32
      %dma_wait3A_96 = arith.constant 0 : i32
      %dma_wait3A_97 = arith.constant 0 : i32
      %dma_wait3A_98 = tpu.memref_slice %arg6[%select_n3A_65, %dma_wait3A_95, %dma_wait3A_96, %dma_wait3A_97] : memref<3x4x40x128xf32, #tpu.memory_space<vmem>> -> memref<1x1x40x128xf32, #tpu.memory_space<vmem>>
      %dma_wait3A_99 = tpu.memref_squeeze %dma_wait3A_98 : memref<1x1x40x128xf32, #tpu.memory_space<vmem>> -> memref<40x128xf32, #tpu.memory_space<vmem>>
      %dma_wait3A_100 = arith.constant 256 : i32
      %dma_wait3A_101 = tpu.memref_slice %arg5[%mul3A_51, %dma_wait3A_100] : memref<50000x592xf32, #tpu.memory_space<hbm>> -> memref<40x128xf32, #tpu.memory_space<hbm>>
      %dma_wait3A_102 = tpu.memref_slice %arg11[%select_n3A_65] : memref<3x!tpu.dma_semaphore, #tpu.memory_space<semaphore_mem>> -> memref<1x!tpu.dma_semaphore, #tpu.memory_space<semaphore_mem>>
      %dma_wait3A_103 = tpu.memref_squeeze %dma_wait3A_102 : memref<1x!tpu.dma_semaphore, #tpu.memory_space<semaphore_mem>> -> memref<!tpu.dma_semaphore, #tpu.memory_space<semaphore_mem>>
      %dma_wait3A_104 = arith.constant 256 : i32
      %dma_wait3A_105 = tpu.memref_slice %arg5[%mul3A_51, %dma_wait3A_104] : memref<50000x592xf32, #tpu.memory_space<hbm>> -> memref<40x128xf32, #tpu.memory_space<hbm>>
      %dma_wait3A_106 = arith.constant 0 : i32
      %dma_wait3A_107 = arith.constant 0 : i32
      %dma_wait3A_108 = tpu.memref_slice %arg6[%select_n3A_65, %dma_wait3A_95, %dma_wait3A_106, %dma_wait3A_107] : memref<3x4x40x128xf32, #tpu.memory_space<vmem>> -> memref<1x1x40x128xf32, #tpu.memory_space<vmem>>
      %dma_wait3A_109 = tpu.memref_squeeze %dma_wait3A_108 : memref<1x1x40x128xf32, #tpu.memory_space<vmem>> -> memref<40x128xf32, #tpu.memory_space<vmem>>
      tpu.wait_dma2 semaphore(%dma_wait3A_103 : memref<!tpu.dma_semaphore, #tpu.memory_space<semaphore_mem>>) src(%dma_wait3A_109 : memref<40x128xf32, #tpu.memory_space<vmem>>) dst(%dma_wait3A_105 : memref<40x128xf32, #tpu.memory_space<hbm>>)
      %dma_wait3A_110 = arith.constant 3 : i32
      %dma_wait3A_111 = arith.constant 0 : i32
      %dma_wait3A_112 = arith.constant 0 : i32
      %dma_wait3A_113 = tpu.memref_slice %arg6[%select_n3A_65, %dma_wait3A_110, %dma_wait3A_111, %dma_wait3A_112] : memref<3x4x40x128xf32, #tpu.memory_space<vmem>> -> memref<1x1x40x128xf32, #tpu.memory_space<vmem>>
      %dma_wait3A_114 = tpu.memref_squeeze %dma_wait3A_113 : memref<1x1x40x128xf32, #tpu.memory_space<vmem>> -> memref<40x128xf32, #tpu.memory_space<vmem>>
      %dma_wait3A_115 = arith.constant 384 : i32
      %dma_wait3A_116 = tpu.memref_slice %arg5[%mul3A_51, %dma_wait3A_115] : memref<50000x592xf32, #tpu.memory_space<hbm>> -> memref<40x128xf32, #tpu.memory_space<hbm>>
      %dma_wait3A_117 = tpu.memref_slice %arg11[%select_n3A_65] : memref<3x!tpu.dma_semaphore, #tpu.memory_space<semaphore_mem>> -> memref<1x!tpu.dma_semaphore, #tpu.memory_space<semaphore_mem>>
      %dma_wait3A_118 = tpu.memref_squeeze %dma_wait3A_117 : memref<1x!tpu.dma_semaphore, #tpu.memory_space<semaphore_mem>> -> memref<!tpu.dma_semaphore, #tpu.memory_space<semaphore_mem>>
      %dma_wait3A_119 = arith.constant 384 : i32
      %dma_wait3A_120 = tpu.memref_slice %arg5[%mul3A_51, %dma_wait3A_119] : memref<50000x592xf32, #tpu.memory_space<hbm>> -> memref<40x128xf32, #tpu.memory_space<hbm>>
      %dma_wait3A_121 = arith.constant 0 : i32
      %dma_wait3A_122 = arith.constant 0 : i32
      %dma_wait3A_123 = tpu.memref_slice %arg6[%select_n3A_65, %dma_wait3A_110, %dma_wait3A_121, %dma_wait3A_122] : memref<3x4x40x128xf32, #tpu.memory_space<vmem>> -> memref<1x1x40x128xf32, #tpu.memory_space<vmem>>
      %dma_wait3A_124 = tpu.memref_squeeze %dma_wait3A_123 : memref<1x1x40x128xf32, #tpu.memory_space<vmem>> -> memref<40x128xf32, #tpu.memory_space<vmem>>
      tpu.wait_dma2 semaphore(%dma_wait3A_118 : memref<!tpu.dma_semaphore, #tpu.memory_space<semaphore_mem>>) src(%dma_wait3A_124 : memref<40x128xf32, #tpu.memory_space<vmem>>) dst(%dma_wait3A_120 : memref<40x128xf32, #tpu.memory_space<hbm>>)
      %dma_wait3A_125 = arith.constant 0 : i32
      %dma_wait3A_126 = arith.constant 0 : i32
      %dma_wait3A_127 = tpu.memref_slice %arg7[%select_n3A_65, %dma_wait3A_125, %dma_wait3A_126] : memref<3x40x80xf32, #tpu.memory_space<vmem>> -> memref<1x40x80xf32, #tpu.memory_space<vmem>>
      %dma_wait3A_128 = tpu.memref_squeeze %dma_wait3A_127 : memref<1x40x80xf32, #tpu.memory_space<vmem>> -> memref<40x80xf32, #tpu.memory_space<vmem>>
      %dma_wait3A_129 = arith.constant 512 : i32
      %dma_wait3A_130 = tpu.memref_slice %arg5[%mul3A_51, %dma_wait3A_129] : memref<50000x592xf32, #tpu.memory_space<hbm>> -> memref<40x80xf32, #tpu.memory_space<hbm>>
      %dma_wait3A_131 = tpu.memref_slice %arg11[%select_n3A_65] : memref<3x!tpu.dma_semaphore, #tpu.memory_space<semaphore_mem>> -> memref<1x!tpu.dma_semaphore, #tpu.memory_space<semaphore_mem>>
      %dma_wait3A_132 = tpu.memref_squeeze %dma_wait3A_131 : memref<1x!tpu.dma_semaphore, #tpu.memory_space<semaphore_mem>> -> memref<!tpu.dma_semaphore, #tpu.memory_space<semaphore_mem>>
      %dma_wait3A_133 = arith.constant 512 : i32
      %dma_wait3A_134 = tpu.memref_slice %arg5[%mul3A_51, %dma_wait3A_133] : memref<50000x592xf32, #tpu.memory_space<hbm>> -> memref<40x80xf32, #tpu.memory_space<hbm>>
      %dma_wait3A_135 = arith.constant 0 : i32
      %dma_wait3A_136 = arith.constant 0 : i32
      %dma_wait3A_137 = tpu.memref_slice %arg7[%select_n3A_65, %dma_wait3A_135, %dma_wait3A_136] : memref<3x40x80xf32, #tpu.memory_space<vmem>> -> memref<1x40x80xf32, #tpu.memory_space<vmem>>
      %dma_wait3A_138 = tpu.memref_squeeze %dma_wait3A_137 : memref<1x40x80xf32, #tpu.memory_space<vmem>> -> memref<40x80xf32, #tpu.memory_space<vmem>>
      tpu.wait_dma2 semaphore(%dma_wait3A_132 : memref<!tpu.dma_semaphore, #tpu.memory_space<semaphore_mem>>) src(%dma_wait3A_138 : memref<40x80xf32, #tpu.memory_space<vmem>>) dst(%dma_wait3A_134 : memref<40x80xf32, #tpu.memory_space<hbm>>)
    } else {
    }
    return
  }
}

</mosaic_0001>

<sc_bundles>
// kernel: kernel.3.cloned.1.call-start
scs
__scs_entry_jumppad:
0x0: {  	(pc) =	sbr.rel $0x88, $3  }
0x1: {  	(tag) =	ssettag $0x0;
	lr =	simm.s32 $0x1  }
0x2: {  	[smem:$0x3FA0] =	sst lr;
	_ =	strace $0xD0000000  }
0x3: {  	_ = 	snop  }
0x4: {  	_ = 	snop  }
0x5: {  	_ = 	snop  }
0x6: {  	_ = 	snop  }
0x7: {  	_ = 	snop  }
__scs_overlays_trampoline_lowered:
0x8: {  	[smem:$0x3FAF] =	sst s0  }
0x9: {  	[smem:$0x3FB0] =	sst s1  }
0xa: {  	[smem:$0x3FB1] =	sst s2  }
0xb: {  	[smem:$0x3FB2] =	sst s3  }
0xc: {  	[smem:$0x3FB3] =	sst s4  }
0xd: {  	[smem:$0x3FB4] =	sst s5  }
0xe: {  	[smem:$0x3FB5] =	sst s6  }
0xf: {  	[smem:$0x3FB6] =	sst s7  }
0x10: {  	[smem:$0x3FB7] =	sst s8  }
0x11: {  	[smem:$0x3FB8] =	sst s9;
	s0 =	simm.s32 @!p0 $0x0  }
0x12: {  	s1 =	sld [smem:$0x3F9E];
	s0 =	simm.s32 @p0 $0x1  }
0x13: {  	[smem:$0x3FB9] =	sst s0;
	s0 =	simm.s32 @!p1 $0x0  }
0x14: {  	s2 =	sld [smem:$0x3F9D];
	s0 =	simm.s32 @p1 $0x1  }
0x15: {  	[smem:$0x3FBA] =	sst s0;
	s0 =	simm.s32 @!p2 $0x0  }
0x16: {  	s3 =	sld [smem:$0x3FDB];
	s0 =	simm.s32 @p2 $0x1  }
0x17: {  	s4 =	simm.s32 $0x1BF5;
	[smem:$0x3FBC] =	sst s0  }
0x18: {  	s0 =	sld [smem:$0x3F9F];
	_ =	swait.ge [sflag:s4], $0x0  }
0x19: {  	s7 =	sld [smem:$0x3FA0]  }
0x1a: {  	s8 =	sadd.s32 $0xFFFFE003, lr  }
0x1b: {  	s9 =	sadd.s32 $0xFFFFFEF7, lr;
	s5 =	simm.s32 $0xFFFFFFFF;
	p2 =	slt.u32 s8, $0xFFFFF086  }
0x1c: {  	p1 =	slt.u32 s9, $0xF7A;
	s5 =	simm.s32 @!p2 $0x0  }
0x1d: {  	s5 =	simm.s32 @p1 $0x1;
	p0 =	seq.s32 s7, s2  }
0x1e: {  	s7 =	smul.u32 @!p0 $0xF7A, s2;
	p2 =	seq.s32 @!p0 s5, $0x0  }
0x1f: {  	s9 =	smul.u32 $0xF7A, s1;
	s8 =	simm.s32 @!p0 $0x1BF5;
	p2 =	por !p2, p0  }
0x20: {  	[sflag:s8] =	ssyncset.s32 @!p0 $0xFFFFF086;
	s6 =	sadd.s32 @!p0 s3, s7;
	s7 =	simm.s32 @!p0 $0x108  }
0x21: {  	s3 =	sadd.s32 s3, s9;
	s6 =	sadd.s32 @!p0 $0x88, s6;
	s7 =	simm.s32 @p2 $0x1082  }
0x22: {  	[simem:s7], [sflag:s8] =	dma.local @!p0 [hbm:s6], $0xF7A  }
0x23: {  	s9 =	sor.u32 $0xD0000000, s2;
	s6 =	simm.s32 $0x108;
	_ =	swait.ge @!p0 [sflag:s8], $0x0  }
0x24: {  	s3 =	sadd.s32 $0x88, s3;
	s6 =	simm.s32 @!p1 $0x1082;
	[sflag:s4] =	ssyncset.s32 $0xFFFFF086  }
0x25: {  	[simem:s6], [sflag:s4] =	dma.local [hbm:s3], $0xF7A  }
0x26: {  	[smem:$0x3FA0] =	sst s1;
	(tag) =	ssettag s2;
	_ =	strace s9  }
0x27: {  	s1 =	sld [smem:$0x3FB0]  }
0x28: {  	s2 =	sld [smem:$0x3FB1]  }
0x29: {  	s4 =	sld [smem:$0x3FB3]  }
0x2a: {  	p0 =	seq.s32 s5, $0x0;
	s5 =	sld [smem:$0x3FB4]  }
0x2b: {  	s6 =	sld [smem:$0x3FB5]  }
0x2c: {  	s7 =	sld [smem:$0x3FB6]  }
0x2d: {  	s3 =	simm.s32 $0x108;
	s8 =	sld [smem:$0x3FB7]  }
0x2e: {  	s3 =	simm.s32 @!p0 $0x1082;
	s9 =	sld [smem:$0x3FB8]  }
0x2f: {  	lr =	sadd.s32 s0, s3;
	s0 =	sld [smem:$0x3FAF]  }
0x30: {  	s3 =	sld [smem:$0x3FB2]  }
0x31: {  	[smem:$0x3FBB] =	sst s10  }
0x32: {  	s10 =	sld [smem:$0x3FB9];
	_ =	sdelay $0x3  }
0x33: {  	p0 =	seq.s32 s10, $0x1;
	s10 =	sld [smem:$0x3FBB];
	_ =	sdelay $0x3  }
0x34: {  	[smem:$0x3FBB] =	sst s10  }
0x35: {  	s10 =	sld [smem:$0x3FBA];
	_ =	sdelay $0x3  }
0x36: {  	p1 =	seq.s32 s10, $0x1;
	s10 =	sld [smem:$0x3FBB];
	_ =	sdelay $0x3  }
0x37: {  	[smem:$0x3FBB] =	sst s10  }
0x38: {  	s10 =	sld [smem:$0x3FBC]  }
0x39: {  	_ = 	snop;
	(pc) =	sbr.ind lr, $3  }
0x3a: {  	_ = 	snop  }
0x3b: {  	_ = 	snop  }
0x3c: {  	p2 =	seq.s32 s10, $0x1;
	s10 =	sld [smem:$0x3FBB]  }
0x3d: {  	_ =	shalt  }
0x3e: {  	_ =	shalt  }
0x3f: {  	_ =	shalt  }
0x40: {  	_ =	shalt  }
0x41: {  	_ =	shalt  }
0x42: {  	_ =	shalt  }
0x43: {  	_ =	shalt  }
0x44: {  	_ =	shalt  }
0x45: {  	_ =	shalt  }
0x46: {  	_ =	shalt  }
0x47: {  	_ =	shalt  }
0x48: {  	_ =	shalt  }
0x49: {  	_ =	shalt  }
0x4a: {  	_ =	shalt  }
0x4b: {  	_ =	shalt  }
0x4c: {  	_ =	shalt  }
0x4d: {  	_ =	shalt  }
0x4e: {  	_ =	shalt  }
0x4f: {  	_ =	shalt  }
0x50: {  	_ =	shalt  }
0x51: {  	_ =	shalt  }
0x52: {  	_ =	shalt  }
0x53: {  	_ =	shalt  }
0x54: {  	_ =	shalt  }
0x55: {  	_ =	shalt  }
0x56: {  	_ =	shalt  }
0x57: {  	_ =	shalt  }
0x58: {  	_ =	shalt  }
0x59: {  	_ =	shalt  }
0x5a: {  	_ =	shalt  }
0x5b: {  	_ =	shalt  }
0x5c: {  	_ =	shalt  }
0x5d: {  	_ =	shalt  }
0x5e: {  	_ =	shalt  }
0x5f: {  	_ =	shalt  }
0x60: {  	_ =	shalt  }
0x61: {  	_ =	shalt  }
0x62: {  	_ =	shalt  }
0x63: {  	_ =	shalt  }
0x64: {  	_ =	shalt  }
0x65: {  	_ =	shalt  }
0x66: {  	_ =	shalt  }
0x67: {  	_ =	shalt  }
0x68: {  	_ =	shalt  }
0x69: {  	_ =	shalt  }
0x6a: {  	_ =	shalt  }
0x6b: {  	_ =	shalt  }
0x6c: {  	_ =	shalt  }
0x6d: {  	_ =	shalt  }
0x6e: {  	_ =	shalt  }
0x6f: {  	_ =	shalt  }
0x70: {  	_ =	shalt  }
0x71: {  	_ =	shalt  }
0x72: {  	_ =	shalt  }
0x73: {  	_ =	shalt  }
0x74: {  	_ =	shalt  }
0x75: {  	_ =	shalt  }
0x76: {  	_ =	shalt  }
0x77: {  	_ =	shalt  }
0x78: {  	_ =	shalt  }
0x79: {  	_ =	shalt  }
0x7a: {  	_ =	shalt  }
0x7b: {  	_ =	shalt  }
0x7c: {  	_ =	shalt  }
0x7d: {  	_ =	shalt  }
0x7e: {  	_ =	shalt  }
0x7f: {  	_ =	shalt  }
0x80: {  	_ =	shalt  }
0x81: {  	_ =	shalt  }
0x82: {  	_ =	shalt  }
0x83: {  	_ =	shalt  }
0x84: {  	_ =	shalt  }
0x85: {  	_ =	shalt  }
0x86: {  	_ =	shalt  }
0x87: {  	_ =	shalt  }
.Lfunc_end0:
.L_simem_size_0:
called_computation_lowered:
.L_overlay_start_0:
0x88: {  	s2 =	sld [smem:$0x3FD9]  }
0x89: {  	s3 =	sld [smem:$0x3FFE];
	_ =	sdelay $0x1  }
0x8a: {  	s1 =	srdreg.scid  }
0x8b: {  	s0 =	sand.u32 $0x1, s1  }
0x8c: {  	s17 =	sshll.u32 s0, $0xA;
	s2 =	sadd.s32 s3, s2  }
0x8d: {  	s2 =	sadd.s32 s2, s17  }
0x8e: {  	[smem:$0x3FC7] =	sst s2  }
0x8f: {  	_ = 	snop  }
0x90: {  	s2 =	sld [smem:$0x3FD0];
	(tm) =	ssettm $0x1  }
0x91: {  	s18 =	sld [smem:$0x3FFB];
	_ =	sdelay $0x3  }
0x92: {  	_ =	strace s18  }
0x93: {  	s3 =	sld [smem:$0x3FFC];
	_ =	sdelay $0x3  }
0x94: {  	_ =	strace s3  }
0x95: {  	s3 =	sld [smem:$0x3FFD];
	_ =	sdelay $0x3  }
0x96: {  	_ =	strace s3  }
0x97: {  	_ =	strace $0x8FFFFFFF  }
0x98: {  	s19 =	sld [smem:$0x3FDB];
	_ =	sdelay $0x1  }
0x99: {  	s4 =	simm.s32 $_scs_section_size  }
0x9a: {  	s5 =	simm.s32 $_size__tile_overlayer_lowered;
	s6 =	simm.s32 $_tile_overlayer_lowered  }
0x9b: {  	s22 =	simm.s32 $0x1BFF;
	s21 =	sshll.u32 s6, $0x1;
	s3 =	sadd.s32 s4, s19  }
0x9c: {  	s7 =	simm.s32 $0x0;
	s20 =	sshll.u32 s5, $0x1;
	s5 =	sadd.s32 s21, s3  }
0x9d: {  	[timem:s7], [sflag:s22] =	dma.local [hbm:s5], s20  }
0x9e: {  	_ =	swait.ge [sflag:s22], s20  }
0x9f: {  	s4 =	ssub.s32 $0x0, s20;
	[sflag:s22] =	ssyncset.done $0x0  }
0xa0: {  	[sflag:s22] =	ssyncadd.s32 s4;
	_ =	sdelay $0x1  }
0xa1: {  	s23 =	simm.s32 $0x1B8B  }
0xa2: {  	_ =	swait.ge [sflag:s23], $0x1  }
0xa3: {  	[sflag:s23] =	ssyncset.done $0x0  }
0xa4: {  	s25 =	simm.s32 $0x1B8E;
	s24 =	sld [smem:$0x3FFE];
	[sflag:s23] =	ssyncadd.s32 $0xFFFFFFFF  }
0xa5: {  	s26 =	simm.s32 $execute0_lowered;
	[smem:$0x3FD2] =	sst s25  }
0xa6: {  	s5 =	sshll.u32 s26, $0x1;
	_ =	strace $0x80000046;
	[dreg:$0x1] =	wrdreg $0xFFFFFFFF  }
0xa7: {  	s28 =	simm.s32 $_size_execute0_lowered;
	s3 =	sadd.s32 s3, s5;
	[dreg:$0x0] =	wrdreg $0x0  }
0xa8: {  	s5 =	sshll.u32 s28, $0x1;
	[dreg:$0x2] =	wrdreg s3  }
0xa9: {  	[dreg:$0x3] =	wrdreg s5  }
0xaa: {  	[dreg:$0x4] =	wrdreg $0xC0  }
0xab: {  	_ =	task [dreg:s7], $0x5FFFF  }
0xac: {  	[dreg:$0x1] =	wrdreg $0xFFFFFFFF  }
0xad: {  	[dreg:$0x0] =	wrdreg $0x60  }
0xae: {  	[dreg:$0x2] =	wrdreg s24  }
0xaf: {  	[dreg:$0x3] =	wrdreg s2  }
0xb0: {  	[dreg:$0x4] =	wrdreg $0x9  }
0xb1: {  	_ =	task.clear_ibuf [dreg:s7], $0x5FFFF;
	_ =	strace $0x90000046  }
0xb2: {  	s29 =	simm.s32 $0x9;
	_ =	strace $0x80000048  }
0xb3: {  	_ =	swait.ge [sflag:s29], $0x1  }
0xb4: {  	[sflag:s29] =	ssyncadd.s32 $0xFFFFFFFF  }
0xb5: {  	_ =	strace $0x90000048  }
0xb6: {  	_ =	sfence  }
0xb7: {  	s30 =	sld [smem:$0x0];
	_ =	sdelay $0x2  }
0xb8: {  	s31 =	sshll.u32 s1, $0xD;
	s1 =	sshrl.u32 s1, $0x2  }
0xb9: {  	s3 =	sand.u32 $0x4000, s31;
	s1 =	sadd.s32 s1, s30  }
0xba: {  	s0 =	sor.u32 s3, s0;
	s1 =	sshll.u32 s1, $0x11  }
0xbb: {  	s0 =	sor.u32 s1, s0  }
0xbc: {  	s0 =	sadd.s32 $0x8F2B, s0  }
0xbd: {  	[sflag:s0] =	ssyncadd.remote.s32 $0x1  }
0xbe: {  	_ =	sfence.sel $0xFFFF  }
0xbf: {  	[dreg:$0x0] =	wrdreg $0xFFFFFFFF;
	(pc) =	sbr.abs _section_cstart, $3  }
0xc0: {  	[dreg:$0x1] =	wrdreg $0xFFFFFFFF  }
0xc1: {  	_ =	task.clear_ibuf [dreg:s7], $0x2FFFF;
	_ =	strace $0x9FFFFFFF  }
0xc2: {  	(tm) =	ssettm $0x7FFFFFFF  }
0xc3: {  	_ =	shalt  }
tec
execute0_lowered:
.L_overlay_start_1:
0x0: {  	(tag) =	ssettag $0x1  }
0x1: {  	s0 =	rddreg [dreg:$0x0];
	s1 =	srdreg.scid;
	s3 =	simm.s32 $0x0  }
0x2: {  	s4 =	stileid.u32;
	s22 =	simm.s32 $0x7;
	s21 =	simm.s32 $0x0  }
0x3: {  	s1 =	sand.u32 $0x1, s1;
	[smem:$0x7FF] =	sst s3;
	s5 =	sadd.s32 $0x800, s0  }
0x4: {  	s6 =	sadd.s32 $0x3D1200, s0;
	s8 =	sadd.s32 $0x3D1400, s0;
	s2 =	sshll.u32 s1, $0x4  }
0x5: {  	_ =	strace $0x80000047;
	s1 =	ssub.s32 $0x2, s1;
	s4 =	sor.u32 s4, s2  }
0x6: {  	[dreg:$0x3] =	wrdreg s6;
	s9 =	sshrl.u32 s1, $0x1;
	s23 =	smul.u32 $0x28, s4  }
0x7: {  	s2 =	ssub.s32 $0x501, s4;
	s24 =	smul.u32 $0x6400, s4;
	s1 =	ssub.s32 s1, s9  }
0x8: {  	s7 =	sshrl.u32 s2, $0x5;
	s20 =	smax.u32 s1, $0x1;
	s1 =	simm.s32 $0x1400  }
0x9: {  	s25 =	sadd.s32 $0xFFFFFFFF, s7;
	s2 =	sshrl.u32 s23, $0x3;
	s0 =	sshrl.u32 s24, $0x3  }
0xa: {  	s24 =	simm.s32 $0x400;
	s10 =	smul.u32 $0xAB, s25;
	s9 =	sadd.s32 s5, s0  }
0xb: {  	s2 =	smul.u32 $0x1400, s2;
	s28 =	sadd.s32 $0x80, s9;
	s29 =	sadd.s32 $0x100, s9  }
0xc: {  	s30 =	sadd.s32 $0x180, s9;
	s26 =	sshrl.u32 s10, $0x9;
	[dreg:$0x4] =	wrdreg s28  }
0xd: {  	s2 =	sadd.s32 $0xC8000, s2;
	[dreg:$0x5] =	wrdreg s29;
	s0 =	smul.u32 $0x3, s26  }
0xe: {  	s31 =	sadd.s32 $0x200, s9;
	[dreg:$0x6] =	wrdreg s30;
	s2 =	sshrl.u32 s2, $0x3  }
0xf: {  	[dreg:$0x7] =	wrdreg s31;
	s14 =	sadd.s32 s5, s2;
	s0 =	ssub.s32 s25, s0  }
0x10: {  	s15 =	sadd.s32 $0x80, s14;
	s16 =	sadd.s32 $0x100, s14;
	s0 =	sor.u32 $0x4, s0  }
0x11: {  	s17 =	sadd.s32 $0x180, s14;
	s18 =	sadd.s32 $0x200, s14;
	s19 =	sand.u32 $0xFF, s0  }
.LBB2_1:
0x12: {  	s0 =	rddreg [dreg:$0x1];
	s2 =	simm.s32 $0x12C00  }
0x13: {  	[tilespmem:s2], [sflag:$0x7] =	stream.linear.gather [hbm4b:s0+s3], $0x100, $0x38;
	[tilespmem:$0x12E00] =	vst v63  }
0x14: {  	_ =	swait.ge [sflag:s22], $0x100  }
0x15: {  	[sflag:s22] =	ssyncset.done $0x0  }
0x16: {  	s31 =	simm.s32 $0x12D00;
	s30 =	rddreg [dreg:$0x3];
	[sflag:s22] =	ssyncadd.s32 $0xFFFFFF00  }
0x17: {  	[tilespmem:s31], [sflag:$0x7] =	stream.linear.gather [hbm4b:s30+s3], $0x100, $0x38;
	[tilespmem:$0x12E00] =	vst v63  }
0x18: {  	_ =	swait.ge [sflag:s22], $0x100  }
0x19: {  	[sflag:s22] =	ssyncset.done $0x0  }
0x1a: {  	[sflag:s22] =	ssyncadd.s32 $0xFFFFFF00  }
0x1b: {  	[tilespmem:s3], [sflag:$0x1] =	stream.strided.gather [hbm4b:s9+s24], $0x1400, s1, s24, $0x38;
	[tilespmem:$0x12E00] =	vst v63  }
0x1c: {  	s6 =	rddreg [dreg:$0x4]  }
0x1d: {  	[tilespmem:s1], [sflag:$0x1] =	stream.strided.gather [hbm4b:s6+s24], $0x1400, s1, s24, $0x38;
	[tilespmem:$0x12E00] =	vst v63  }
0x1e: {  	s11 =	simm.s32 $0x2800;
	s10 =	rddreg [dreg:$0x5]  }
0x1f: {  	[tilespmem:s11], [sflag:$0x1] =	stream.strided.gather [hbm4b:s10+s24], $0x1400, s1, s24, $0x38;
	[tilespmem:$0x12E00] =	vst v63  }
0x20: {  	s13 =	simm.s32 $0x3C00;
	s12 =	rddreg [dreg:$0x6]  }
0x21: {  	[tilespmem:s13], [sflag:$0x1] =	stream.strided.gather [hbm4b:s12+s24], $0x1400, s1, s24, $0x38;
	[tilespmem:$0x12E00] =	vst v63  }
0x22: {  	s25 =	simm.s32 $0xF000;
	s23 =	rddreg [dreg:$0x7]  }
0x23: {  	[tilespmem:s25], [sflag:$0x1] =	stream.strided.gather [hbm4b:s23+s24], $0x1400, s1, s24, $0x38;
	[tilespmem:$0x12E00] =	vst v63  }
0x24: {  	s26 =	simm.s32 $0x5000  }
0x25: {  	[tilespmem:s26], [sflag:$0x2] =	stream.strided.gather [hbm4b:s14+s24], $0x1400, s1, s24, $0x38;
	[tilespmem:$0x12E00] =	vst v63  }
0x26: {  	s28 =	simm.s32 $0x6400  }
0x27: {  	[tilespmem:s28], [sflag:$0x2] =	stream.strided.gather [hbm4b:s15+s24], $0x1400, s1, s24, $0x38;
	[tilespmem:$0x12E00] =	vst v63  }
0x28: {  	s29 =	simm.s32 $0x7800  }
0x29: {  	[tilespmem:s29], [sflag:$0x2] =	stream.strided.gather [hbm4b:s16+s24], $0x1400, s1, s24, $0x38;
	[tilespmem:$0x12E00] =	vst v63  }
0x2a: {  	s30 =	simm.s32 $0x8C00  }
0x2b: {  	[tilespmem:s30], [sflag:$0x2] =	stream.strided.gather [hbm4b:s17+s24], $0x1400, s1, s24, $0x38;
	[tilespmem:$0x12E00] =	vst v63  }
0x2c: {  	s31 =	simm.s32 $0x10400;
	s23 =	simm.s32 $0x1400;
	s25 =	simm.s32 $0x0  }
0x2d: {  	[tilespmem:s31], [sflag:$0x2] =	stream.strided.gather [hbm4b:s18+s24], $0x1400, s1, s24, $0x38;
	[tilespmem:$0x12E00] =	vst v63  }
.LBB2_2:
0x2e: {  	s0 =	smulhi.u32 $0xAAAAAAAB, s25;
	_ =	sdelay $0x1  }
0x2f: {  	s0 =	sshrl.u32 s0, $0x1  }
0x30: {  	s2 =	smul.u32 $0x3, s0;
	_ =	sdelay $0x1  }
0x31: {  	s26 =	ssub.s32 s25, s2  }
0x32: {  	s2 =	sadd.s32 $0x1, s26  }
0x33: {  	_ =	swait.ge [sflag:s2], $0x1400  }
0x34: {  	[sflag:s2] =	ssyncset.done $0x0  }
0x35: {  	[sflag:s2] =	ssyncadd.s32 $0xFFFFEC00  }
0x36: {  	_ =	swait.ge [sflag:s2], $0x1400  }
0x37: {  	[sflag:s2] =	ssyncset.done $0x0  }
0x38: {  	[sflag:s2] =	ssyncadd.s32 $0xFFFFEC00  }
0x39: {  	_ =	swait.ge [sflag:s2], $0x1400  }
0x3a: {  	[sflag:s2] =	ssyncset.done $0x0  }
0x3b: {  	[sflag:s2] =	ssyncadd.s32 $0xFFFFEC00  }
0x3c: {  	_ =	swait.ge [sflag:s2], $0x1400  }
0x3d: {  	[sflag:s2] =	ssyncset.done $0x0  }
0x3e: {  	[sflag:s2] =	ssyncadd.s32 $0xFFFFEC00  }
0x3f: {  	_ =	swait.ge [sflag:s2], $0x1400  }
0x40: {  	[sflag:s2] =	ssyncset.done $0x0  }
0x41: {  	[sflag:s2] =	ssyncadd.s32 $0xFFFFEC00  }
0x42: {  	v2 =	vld [tilespmem:$0x12D20]  }
0x43: {  	v3 =	vld [tilespmem:$0x12C20]  }
0x44: {  	v4 =	vld [tilespmem:$0x12D00]  }
0x45: {  	v5 =	vld [tilespmem:$0x12C00]  }
0x46: {  	v6 =	vld [tilespmem:$0x12DA0]  }
0x47: {  	v0 =	vmov s26;
	v7 =	vld [tilespmem:$0x12CA0]  }
0x48: {  	v0 =	vmul.u32 $0x5000, v0;
	v8 =	vld [tilespmem:$0x12C80]  }
0x49: {  	s13 =	simm.s32 $0x0;
	v9 =	vld [tilespmem:$0x12CB0]  }
0x4a: {  	v1 =	vadd.s32 s13, v0;
	v11 =	vld [tilespmem:$0x12D80]  }
0x4b: {  	v1 =	vbroadcast v1, $0x0;
	v13 =	vld [tilespmem:$0x12C40]  }
0x4c: {  	v16 =	vld [tilespmem:$0x12D10];
	v3 =	vmul.u32 $0x1400, v3;
	v5 =	vmul.u32 $0x1400, v5;
	v10 =	vand.u32 $0xFFFFFF80, v2  }
0x4d: {  	v12 =	vand.u32 $0x7F, v4;
	v4 =	vand.u32 $0xFFFFFF80, v4;
	v7 =	vmul.u32 $0x1400, v7  }
0x4e: {  	v8 =	vmul.u32 $0x1400, v8;
	v14 =	vand.u32 $0x7F, v6;
	v3 =	vadd.s32 v3, v1  }
0x4f: {  	v6 =	vand.u32 $0xFFFFFF80, v6;
	v9 =	vmul.u32 $0x1400, v9;
	v10 =	vadd.s32 v10, v3;
	v3 =	vld [tilespmem:$0x12DB0]  }
0x50: {  	v15 =	vld [tilespmem:$0x12D40];
	v17 =	vand.u32 $0xFFFFFF80, v11;
	v13 =	vmul.u32 $0x1400, v13;
	v5 =	vadd.s32 v5, v1  }
0x51: {  	v19 =	vand.u32 $0xFFFFFF80, v16;
	v7 =	vadd.s32 v7, v1;
	v4 =	vadd.s32 v4, v5;
	v5 =	vld [tilespmem:$0x12C10]  }
0x52: {  	v8 =	vadd.s32 v8, v1;
	v9 =	vadd.s32 v9, v1;
	v6 =	vadd.s32 v6, v7;
	v7 =	vld [tilespmem:$0x12C30]  }
0x53: {  	v13 =	vadd.s32 v13, v1;
	v8 =	vadd.s32 v17, v8;
	v17 =	vld [tilespmem:$0x12C90];
	v14 =	vor.u32 v14, v6  }
0x54: {  	v12 =	vor.u32 v12, v4;
	v4 =	vand.u32 $0x7F, v11;
	v6 =	vand.u32 $0xFFFFFF80, v3  }
0x55: {  	v11 =	vand.u32 $0xFFFFFF80, v15;
	v3 =	vand.u32 $0x7F, v3;
	v6 =	vadd.s32 v6, v9;
	v9 =	vld [tilespmem:$0x12D30]  }
0x56: {  	v11 =	vadd.s32 v11, v13;
	v5 =	vmul.u32 $0x1400, v5;
	v18 =	vor.u32 v3, v6;
	v6 =	vld [tilespmem:$0x12D90]  }
0x57: {  	v13 =	vand.u32 $0x7F, v16;
	v7 =	vmul.u32 $0x1400, v7;
	v3 =	vand.u32 $0x7F, v15;
	v15 =	vld [tilespmem:$0x12C50]  }
0x58: {  	v20 =	vld [tilespmem:$0x12D50];
	v8 =	vor.u32 v4, v8;
	v4 =	vmul.u32 $0x1400, v17;
	v5 =	vadd.s32 v5, v1  }
0x59: {  	v21 =	vld [tilespmem:$0x12C70];
	v7 =	vadd.s32 v7, v1;
	v16 =	vadd.s32 v19, v5;
	v19 =	vor.u32 v3, v11  }
0x5a: {  	v3 =	vor.u32 v13, v16;
	v16 =	vld [tilespmem:$0x12C60];
	v11 =	vand.u32 $0xFFFFFF80, v9;
	v9 =	vand.u32 $0x7F, v9  }
0x5b: {  	v22 =	vld [tilespmem:$0x12D60];
	v13 =	vand.u32 $0xFFFFFF80, v6;
	v7 =	vadd.s32 v11, v7;
	v17 =	vand.u32 $0x7F, v6  }
0x5c: {  	s0 =	smul.u32 $0xFFFC4000, s0;
	v5 =	vld [tilespmem:$0x12D70];
	v11 =	vand.u32 $0x7F, v2;
	v6 =	vor.u32 v9, v7;
	v7 =	vmul.u32 $0x1400, v15  }
0x5d: {  	v9 =	vadd.s32 v4, v1;
	v4 =	vld.idx.msk [tilespmem:v14+s3+$0x0], $0xffff;
	v14 =	vand.u32 $0xFFFFFF80, v20;
	v11 =	vor.u32 v11, v10  }
0x5e: {  	s0 =	sshra.s32 s0, $0x2;
	v2 =	vld.idx.msk [tilespmem:v12+s3+$0x0], $0xffff;
	v9 =	vadd.s32 v13, v9;
	v13 =	vand.u32 $0x7F, v20;
	v12 =	vadd.s32 v7, v1  }
0x5f: {  	s28 =	smul.u32 $0x5000, s26;
	s0 =	sadd.s32 s0, s23;
	v8 =	vld.idx.msk [tilespmem:v8+s3+$0x0], $0xffff;
	v10 =	vor.u32 v17, v9;
	v17 =	vmul.u32 $0x1400, v16;
	v14 =	vadd.s32 v14, v12  }
0x60: {  	s31 =	smov.u32 s0;
	v15 =	vmul.u32 $0x1400, v21;
	v7 =	vld.idx.msk [tilespmem:v19+s3+$0x0], $0xffff;
	v16 =	vand.u32 $0xFFFFFF80, v22;
	v13 =	vor.u32 v13, v14  }
0x61: {  	s30 =	sadd.s32 $0x1400, s28;
	s29 =	sadd.s32 $0x2800, s28;
	s2 =	simm.s32 $0x1;
	v9 =	vld.idx.msk [tilespmem:v18+s3+$0x0], $0xffff;
	v12 =	vand.u32 $0xFFFFFF80, v5;
	v14 =	vand.u32 $0x7F, v22;
	v17 =	vadd.s32 v17, v1  }
.LBB2_3:
0x62: {  	s6 =	smov.u32 s2  }
0x63: {  	s10 =	sshll.u32 s2, $0x7;
	v11 =	vld.idx.msk [tilespmem:v11+s3+$0x0], $0xffff;
	v16 =	vadd.s32 v16, v17;
	v5 =	vand.u32 $0x7F, v5;
	v1 =	vadd.s32 v15, v1;
	s0 =	sadd.s32 $0x80, s0;
	s6 =	sadd.s32 $0x1, s2  }
0x64: {  	p0 =	sne.s32 s2, $0x27;
	v15 =	vadd.s32 s10, v0;
	v14 =	vor.u32 v14, v16;
	v1 =	vadd.s32 v12, v1  }
0x65: {  	v1 =	vor.u32 v5, v1;
	v12 =	vld.idx.msk [tilespmem:v13+s3+$0x0], $0xffff  }
0x66: {  	v3 =	vld.idx.msk [tilespmem:v3+s3+$0x0], $0xffff  }
0x67: {  	v5 =	vld.idx.msk [tilespmem:v6+s3+$0x0], $0xffff  }
0x68: {  	v6 =	vld.idx.msk [tilespmem:v10+s3+$0x0], $0xffff  }
0x69: {  	v10 =	vld.idx.msk [tilespmem:v14+s3+$0x0], $0xffff  }
0x6a: {  	v13 =	vld.idx.msk [tilespmem:v1+s3+$0x0], $0xffff  }
0x6b: {  	[tilespmem:s31+$0x1420] =	vst v4  }
0x6c: {  	v1 =	vbroadcast v15, $0x0;
	[tilespmem:s31+$0x40] =	vst v7  }
0x6d: {  	[tilespmem:s31+$0x1430] =	vst v9  }
0x6e: {  	[tilespmem:s31+$0x10] =	vst v3  }
0x6f: {  	[tilespmem:s31+$0x60] =	vst v10  }
0x70: {  	[tilespmem:s31+$0x30] =	vst v5  }
0x71: {  	[tilespmem:s31+$0x1410] =	vst v6  }
0x72: {  	[tilespmem:s31+$0x0] =	vst v2  }
0x73: {  	[tilespmem:s31+$0x20] =	vst v11  }
0x74: {  	[tilespmem:s31+$0x70] =	vst v13  }
0x75: {  	[tilespmem:s31+$0x1400] =	vst v8  }
0x76: {  	[tilespmem:s31+$0x50] =	vst v12;
	s31 =	smov.u32 s0  }
0x77: {  	v7 =	vld [tilespmem:$0x12D20]  }
0x78: {  	v2 =	vld [tilespmem:$0x12C20]  }
0x79: {  	v3 =	vld [tilespmem:$0x12D00]  }
0x7a: {  	v4 =	vld [tilespmem:$0x12C00]  }
0x7b: {  	v5 =	vld [tilespmem:$0x12DA0]  }
0x7c: {  	v6 =	vld [tilespmem:$0x12CA0]  }
0x7d: {  	v2 =	vmul.u32 $0x1400, v2;
	v8 =	vld [tilespmem:$0x12C80]  }
0x7e: {  	v9 =	vld [tilespmem:$0x12CB0]  }
0x7f: {  	v10 =	vand.u32 $0xFFFFFF80, v7;
	v4 =	vmul.u32 $0x1400, v4;
	v2 =	vadd.s32 v2, v1;
	v11 =	vld [tilespmem:$0x12D80]  }
0x80: {  	v12 =	vand.u32 $0x7F, v3;
	v10 =	vadd.s32 v10, v2;
	v2 =	vld [tilespmem:$0x12DB0]  }
0x81: {  	v3 =	vand.u32 $0xFFFFFF80, v3;
	v4 =	vadd.s32 v4, v1;
	v13 =	vld [tilespmem:$0x12C40];
	v6 =	vmul.u32 $0x1400, v6  }
0x82: {  	v14 =	vand.u32 $0x7F, v5;
	v3 =	vadd.s32 v3, v4;
	v4 =	vld [tilespmem:$0x12C10];
	v8 =	vmul.u32 $0x1400, v8  }
0x83: {  	v5 =	vand.u32 $0xFFFFFF80, v5;
	v15 =	vld [tilespmem:$0x12D40];
	v6 =	vadd.s32 v6, v1;
	v9 =	vmul.u32 $0x1400, v9  }
0x84: {  	v16 =	vld [tilespmem:$0x12D10];
	v17 =	vand.u32 $0xFFFFFF80, v11;
	v8 =	vadd.s32 v8, v1;
	v5 =	vadd.s32 v5, v6  }
0x85: {  	v6 =	vld [tilespmem:$0x12C30];
	v14 =	vor.u32 v14, v5;
	v5 =	vand.u32 $0xFFFFFF80, v2;
	v9 =	vadd.s32 v9, v1  }
0x86: {  	v8 =	vadd.s32 v17, v8;
	v2 =	vand.u32 $0x7F, v2;
	v17 =	vld [tilespmem:$0x12C90];
	v5 =	vadd.s32 v5, v9  }
0x87: {  	v13 =	vmul.u32 $0x1400, v13;
	v4 =	vmul.u32 $0x1400, v4;
	v9 =	vld [tilespmem:$0x12D30];
	v18 =	vor.u32 v2, v5  }
0x88: {  	v11 =	vand.u32 $0x7F, v11;
	v2 =	vor.u32 v12, v3;
	v3 =	vand.u32 $0x7F, v15;
	v12 =	vld [tilespmem:$0x12D90]  }
0x89: {  	v5 =	vand.u32 $0xFFFFFF80, v15;
	v13 =	vadd.s32 v13, v1;
	v4 =	vadd.s32 v4, v1;
	v15 =	vld [tilespmem:$0x12C50]  }
0x8a: {  	v19 =	vand.u32 $0xFFFFFF80, v16;
	v13 =	vadd.s32 v5, v13;
	v6 =	vmul.u32 $0x1400, v6;
	v5 =	vld [tilespmem:$0x12D70]  }
0x8b: {  	v16 =	vand.u32 $0x7F, v16;
	v4 =	vadd.s32 v19, v4;
	v13 =	vor.u32 v3, v13;
	v19 =	vld [tilespmem:$0x12D50]  }
0x8c: {  	v8 =	vor.u32 v11, v8;
	v3 =	vor.u32 v16, v4;
	v11 =	vmul.u32 $0x1400, v17;
	v4 =	vld.idx.msk [tilespmem:v14+s3+$0x0], $0xffff  }
0x8d: {  	v14 =	vand.u32 $0xFFFFFF80, v9;
	v6 =	vadd.s32 v6, v1;
	v2 =	vld.idx.msk [tilespmem:v2+s3+$0x0], $0xffff;
	v16 =	vand.u32 $0xFFFFFF80, v12  }
0x8e: {  	v9 =	vand.u32 $0x7F, v9;
	v6 =	vadd.s32 v14, v6;
	v12 =	vand.u32 $0x7F, v12;
	v14 =	vld [tilespmem:$0x12C60]  }
0x8f: {  	v11 =	vadd.s32 v11, v1;
	v6 =	vor.u32 v9, v6;
	v9 =	vmul.u32 $0x1400, v15;
	v15 =	vld [tilespmem:$0x12C70]  }
0x90: {  	v7 =	vand.u32 $0x7F, v7;
	v16 =	vadd.s32 v16, v11;
	v17 =	vand.u32 $0xFFFFFF80, v19;
	v20 =	vld [tilespmem:$0x12D60]  }
.Ltmp0:
0x91: {  	v11 =	vor.u32 v7, v10;
	v10 =	vor.u32 v12, v16;
	v9 =	vadd.s32 v9, v1;
	v7 =	vld.idx.msk [tilespmem:v13+s3+$0x0], $0xffff;
	(pc) =	sbr.rel @p0 .LBB2_3-.Ltmp0, $4  }
0x92: {  	v12 =	vand.u32 $0xFFFFFF80, v5;
	v13 =	vand.u32 $0x7F, v19;
	v16 =	vadd.s32 v17, v9;
	v9 =	vld.idx.msk [tilespmem:v18+s3+$0x0], $0xffff  }
0x93: {  	v13 =	vor.u32 v13, v16;
	v17 =	vmul.u32 $0x1400, v14  }
0x94: {  	v15 =	vmul.u32 $0x1400, v15  }
0x95: {  	s2 =	smov.u32 s6;
	v16 =	vand.u32 $0xFFFFFF80, v20;
	v14 =	vand.u32 $0x7F, v20;
	v17 =	vadd.s32 v17, v1;
	v8 =	vld.idx.msk [tilespmem:v8+s3+$0x0], $0xffff  }
0x96: {  	_ =	sdelay $0x2  }
0x97: {  	v0 =	vadd.s32 v16, v17;
	v1 =	vadd.s32 v15, v1  }
0x98: {  	v11 =	vld.idx.msk [tilespmem:v11+s3+$0x0], $0xffff;
	v5 =	vand.u32 $0x7F, v5;
	v0 =	vor.u32 v14, v0;
	v1 =	vadd.s32 v12, v1  }
0x99: {  	v61 =	vld.idx.msk [tilespmem:v13+s3+$0x0], $0xffff;
	v1 =	vor.u32 v5, v1  }
0x9a: {  	v3 =	vld.idx.msk [tilespmem:v3+s3+$0x0], $0xffff  }
0x9b: {  	v62 =	vld.idx.msk [tilespmem:v6+s3+$0x0], $0xffff  }
0x9c: {  	v63 =	vld.idx.msk [tilespmem:v10+s3+$0x0], $0xffff  }
0x9d: {  	v0 =	vld.idx.msk [tilespmem:v0+s3+$0x0], $0xffff  }
0x9e: {  	v1 =	vld.idx.msk [tilespmem:v1+s3+$0x0], $0xffff;
	[tilespmem:s31+$0x1420] =	vst v4  }
0x9f: {  	[tilespmem:s31+$0x40] =	vst v7  }
0xa0: {  	[tilespmem:s31+$0x1430] =	vst v9  }
0xa1: {  	p1 =	seq.s32 s25, $0x0;
	[tilespmem:s31+$0x10] =	vst v3  }
0xa2: {  	s0 =	sadd.s32 @!p1 $0xFFFFFFFF, s25;
	[tilespmem:s31+$0x30] =	vst v62  }
0xa3: {  	s2 =	smulhi.u32 @!p1 $0xAAAAAAAB, s0;
	[tilespmem:s31+$0x1410] =	vst v63  }
0xa4: {  	[tilespmem:s31+$0x0] =	vst v2  }
0xa5: {  	s2 =	sshrl.u32 @!p1 s2, $0x1;
	[tilespmem:s31+$0x20] =	vst v11  }
0xa6: {  	s2 =	smul.u32 @!p1 $0x3, s2;
	[tilespmem:s31+$0x1400] =	vst v8  }
0xa7: {  	[tilespmem:s31+$0x50] =	vst v61  }
0xa8: {  	s0 =	ssub.s32 @!p1 s0, s2;
	[tilespmem:s31+$0x60] =	vst v0  }
0xa9: {  	s0 =	sor.u32 @!p1 $0x4, s0;
	[tilespmem:s31+$0x70] =	vst v1  }
0xaa: {  	_ =	swait.ge @!p1 [sflag:s0], $0x1400  }
0xab: {  	[sflag:s0] =	ssyncset.done @!p1 $0x0  }
0xac: {  	[sflag:s0] =	ssyncadd.s32 @!p1 $0xFFFFEC00  }
0xad: {  	_ =	swait.ge @!p1 [sflag:s0], $0x1400  }
0xae: {  	[sflag:s0] =	ssyncset.done @!p1 $0x0  }
0xaf: {  	[sflag:s0] =	ssyncadd.s32 @!p1 $0xFFFFEC00  }
0xb0: {  	_ =	swait.ge @!p1 [sflag:s0], $0x1400  }
0xb1: {  	s2 =	sadd.s32 $0x2, s25;
	[sflag:s0] =	ssyncset.done @!p1 $0x0  }
0xb2: {  	p0 =	sge.u32 s2, s7;
	[sflag:s0] =	ssyncadd.s32 @!p1 $0xFFFFEC00  }
0xb3: {  	s6 =	smulhi.u32 @!p0 $0xAAAAAAAB, s2;
	_ =	swait.ge @!p1 [sflag:s0], $0x1400  }
0xb4: {  	[sflag:s0] =	ssyncset.done @!p1 $0x0  }
0xb5: {  	s10 =	sshll.u32 @!p0 s2, $0x5;
	s6 =	sshrl.u32 @!p0 s6, $0x1;
	[sflag:s0] =	ssyncadd.s32 @!p1 $0xFFFFEC00  }
0xb6: {  	s10 =	sor.u32 @!p0 s4, s10;
	s6 =	smul.u32 @!p0 $0x3, s6;
	_ =	swait.ge @!p1 [sflag:s0], $0x1400  }
0xb7: {  	s11 =	sshll.u32 s25, $0x5;
	s10 =	smul.u32 @!p0 $0x6400, s10;
	[sflag:s0] =	ssyncset.done @!p1 $0x0  }
0xb8: {  	s11 =	sor.u32 s4, s11;
	[sflag:s0] =	ssyncadd.s32 @!p1 $0xFFFFEC00;
	s0 =	ssub.s32 @!p0 s2, s6  }
0xb9: {  	s6 =	sshrl.u32 @!p0 s10, $0x3;
	s2 =	sadd.s32 @!p0 $0x1, s0;
	s0 =	smul.u32 @!p0 $0x5000, s0  }
0xba: {  	s31 =	simm.s32 @!p0 $0x1400;
	s10 =	simm.s32 @!p0 $0x400;
	s6 =	sadd.s32 @!p0 s5, s6  }
0xbb: {  	[tilespmem:s0], [sflag:s2] =	stream.strided.gather @!p0 [hbm4b:s6+s10], $0x1400, s31, s10, $0x38;
	[tilespmem:$0x12E00] =	vst v63  }
0xbc: {  	s11 =	smul.u32 $0x28, s11;
	s13 =	sadd.s32 @!p0 $0x80, s6;
	s12 =	sadd.s32 @!p0 $0x1400, s0  }
0xbd: {  	[tilespmem:s12], [sflag:s2] =	stream.strided.gather @!p0 [hbm4b:s13+s10], $0x1400, s31, s10, $0x38;
	[tilespmem:$0x12E00] =	vst v63  }
0xbe: {  	s11 =	sshrl.u32 s11, $0x3;
	s12 =	sadd.s32 @!p0 $0x2800, s0;
	s13 =	sadd.s32 @!p0 $0x100, s6  }
0xbf: {  	[tilespmem:s12], [sflag:s2] =	stream.strided.gather @!p0 [hbm4b:s13+s10], $0x1400, s31, s10, $0x38;
	[tilespmem:$0x12E00] =	vst v63  }
0xc0: {  	s12 =	sadd.s32 @!p0 $0x3C00, s0;
	s13 =	sadd.s32 @!p0 $0x180, s6;
	s0 =	sshrl.u32 @!p0 s0, $0x2  }
0xc1: {  	[tilespmem:s12], [sflag:s2] =	stream.strided.gather @!p0 [hbm4b:s13+s10], $0x1400, s31, s10, $0x38;
	[tilespmem:$0x12E00] =	vst v63  }
0xc2: {  	s11 =	smul.u32 $0x1400, s11;
	s6 =	sadd.s32 @!p0 $0x200, s6;
	s0 =	sadd.s32 @!p0 $0xF000, s0  }
0xc3: {  	[tilespmem:s0], [sflag:s2] =	stream.strided.gather @!p0 [hbm4b:s6+s10], $0x1400, s31, s10, $0x38;
	[tilespmem:$0x12E00] =	vst v63  }
0xc4: {  	s6 =	sshrl.u32 s11, $0x3  }
0xc5: {  	s2 =	sadd.s32 $0x4, s26;
	s10 =	sadd.s32 $0x400, s11;
	s0 =	sadd.s32 s8, s6  }
0xc6: {  	[hbm4b:s0+s24] =	stream.strided.scatter [tilespmem:s28], [sflag:s2], $0x1400, s1, s24, $0x38;
	[tilespmem:$0x12E00] =	vst v63  }
0xc7: {  	s0 =	sshrl.u32 s10, $0x3  }
0xc8: {  	s12 =	sadd.s32 $0x800, s11;
	s0 =	sadd.s32 s8, s0  }
0xc9: {  	[hbm4b:s0+s24] =	stream.strided.scatter [tilespmem:s30], [sflag:s2], $0x1400, s1, s24, $0x38;
	[tilespmem:$0x12E00] =	vst v63  }
0xca: {  	s25 =	sadd.s32 $0x1, s25;
	s13 =	sadd.s32 $0xC00, s11;
	s0 =	sshrl.u32 s12, $0x3  }
0xcb: {  	s26 =	sadd.s32 $0x3C00, s28;
	p0 =	sne.s32 s25, s7;
	s0 =	sadd.s32 s8, s0  }
0xcc: {  	[hbm4b:s0+s24] =	stream.strided.scatter [tilespmem:s29], [sflag:s2], $0x1400, s1, s24, $0x38;
	[tilespmem:$0x12E00] =	vst v63  }
.Ltmp1:
0xcd: {  	s0 =	sshrl.u32 s13, $0x3;
	s29 =	sadd.s32 $0x1000, s11;
	(pc) =	sbr.rel @p0 .LBB2_2-.Ltmp1, $4  }
0xce: {  	s30 =	sshra.s32 s28, $0x2;
	s0 =	sadd.s32 s8, s0;
	s31 =	sshrl.u32 s29, $0x3  }
0xcf: {  	[hbm4b:s0+s24] =	stream.strided.scatter [tilespmem:s26], [sflag:s2], $0x1400, s1, s24, $0x38;
	[tilespmem:$0x12E00] =	vst v63  }
0xd0: {  	s23 =	sadd.s32 $0x5000, s23;
	s0 =	sadd.s32 $0xF000, s30;
	s6 =	sadd.s32 s8, s31  }
0xd1: {  	[hbm4b:s6+s24] =	stream.strided.scatter [tilespmem:s0], [sflag:s2], $0x1400, s1, s24, $0x38;
	[tilespmem:$0x12E00] =	vst v63  }
0xd2: {  	_ =	swait.ge [sflag:s19], $0x1400  }
0xd3: {  	[sflag:s19] =	ssyncset.done $0x0  }
0xd4: {  	[sflag:s19] =	ssyncadd.s32 $0xFFFFEC00  }
0xd5: {  	_ =	swait.ge [sflag:s19], $0x1400  }
0xd6: {  	[sflag:s19] =	ssyncset.done $0x0  }
0xd7: {  	[sflag:s19] =	ssyncadd.s32 $0xFFFFEC00  }
0xd8: {  	_ =	swait.ge [sflag:s19], $0x1400  }
0xd9: {  	[sflag:s19] =	ssyncset.done $0x0  }
0xda: {  	s21 =	sadd.s32 $0x1, s21;
	[sflag:s19] =	ssyncadd.s32 $0xFFFFEC00  }
0xdb: {  	p0 =	sne.s32 s21, s20;
	_ =	swait.ge [sflag:s19], $0x1400  }
.Ltmp2:
0xdc: {  	[sflag:s19] =	ssyncset.done $0x0;
	(pc) =	sbr.rel @p0 .LBB2_1-.Ltmp2, $4  }
0xdd: {  	[sflag:s19] =	ssyncadd.s32 $0xFFFFEC00  }
0xde: {  	_ =	swait.ge [sflag:s19], $0x1400  }
0xdf: {  	[sflag:s19] =	ssyncset.done $0x0  }
0xe0: {  	[sflag:s19] =	ssyncadd.s32 $0xFFFFEC00  }
0xe1: {  	_ =	sfence.sel $0x180000  }
0xe2: {  	[bflag:$0x0] =	sbarrier.arrive $0xFFFF  }
0xe3: {  	_ =	strace $0x90000047  }
0xe4: {  	s0 =	stileid.u32;
	[bflag:$0x2] =	sbarrier.arrive $0xFFFF  }
0xe5: {  	p0 =	sne.s32 s0, $0x0;
	s0 =	rddreg [dreg:$0x2]  }
0xe6: {  	s0 =	sadd.s32 @!p0 $0x100000, s0  }
0xe7: {  	[sflag:s0] =	ssyncadd.tile.s32 @!p0 $0x1;
	_ =	shalt  }
.Lfunc_end2:
_tile_overlayer_lowered:
.L_overlay_start_2:
0xe8: {  	(tag) =	ssettag $0x2  }
0xe9: {  	s0 =	rddreg [dreg:$0x0];
	s2 =	stileid.u32  }
0xea: {  	s1 =	rddreg [dreg:$0x1];
	p0 =	sne.s32 s2, $0x0  }
0xeb: {  	s3 =	rddreg [dreg:$0x2];
	[bflag:$0x3] =	sbarrier.arrive $0xFFFF;
	s2 =	simm.s32 @!p0 $0x1C07  }
0xec: {  	[timem:s3], [sflag:s2] =	dma.local @!p0 [hbm:s0], s1  }
0xed: {  	s0 =	simm.s32 @!p0 $0x7  }
0xee: {  	_ =	swait.ge @!p0 [sflag:s0], s1  }
0xef: {  	s1 =	ssub.s32 @!p0 $0x0, s1;
	[sflag:s0] =	ssyncset.done @!p0 $0x0  }
0xf0: {  	[sflag:s0] =	ssyncadd.s32 @!p0 s1  }
0xf1: {  	[bflag:$0x3] =	sbarrier.arrive $0xFFFF  }
0xf2: {  	_ =	shalt  }

</sc_bundles>
